<compile_context>
chip_gen: v7x
topology: tpu7x:2x2x1
jax: 0.10.2.dev20260603
libtpu: 0.0.44.dev20260713+nightly
codegen_flags: <defaults>
</compile_context>

<pallas_src>
import functools

import jax
import jax.numpy as jnp
from jax import lax
from jax.experimental import pallas as pl
from jax.experimental.pallas import tpu as pltpu
from jax.experimental.pallas import tpu_sc as plsc

_T = 224.0
_THR = 0.5
_N = 5000
_F = 65
_H = 64
_K = 128
_NJ = 5120
_TI = 160
_R = 128
_NW = 32
_ROWS_PW = 160
_NP = _NJ * _K
_CH = 8192



def _iou_body(bi_ref, bjt_ref, out_ref):
    bi = bi_ref[:]
    bjt = bjt_ref[:]
    x1i, y1i, x2i, y2i = bi[:, 0:1], bi[:, 1:2], bi[:, 2:3], bi[:, 3:4]
    x1j, y1j, x2j, y2j = bjt[0:1, :], bjt[1:2, :], bjt[2:3, :], bjt[3:4, :]
    ai = (x2i - x1i) * (y2i - y1i)
    aj = (x2j - x1j) * (y2j - y1j)
    iw = jnp.maximum(jnp.minimum(x2i, x2j) - jnp.maximum(x1i, x1j), 0.0)
    ih = jnp.maximum(jnp.minimum(y2i, y2j) - jnp.maximum(y1i, y1j), 0.0)
    inter = iw * ih
    out_ref[:] = inter / (ai + aj - inter + 1e-8)


def _iou_call(boxes_pad, boxes_t_pad):
    return pl.pallas_call(
        _iou_body,
        grid=(_NJ // _TI,),
        in_specs=[
            pl.BlockSpec((_TI, 4), lambda i: (i, 0)),
            pl.BlockSpec((4, _NJ), lambda i: (0, 0)),
        ],
        out_specs=pl.BlockSpec((_TI, _NJ), lambda i: (i, 0)),
        out_shape=jax.ShapeDtypeStruct((_NJ, _NJ), jnp.float32),
    )(boxes_pad, boxes_t_pad)



def _compact_kernel(iou_hbm, idx_hbm, val_hbm, rowbuf, idxbuf, valbuf):
    wid = lax.axis_index("s") * 2 + lax.axis_index("c")
    r0 = wid * _ROWS_PW
    r1 = r0 + _ROWS_PW
    iota = lax.iota(jnp.int32, 16)
    zeros16 = jnp.zeros((16,), jnp.float32)
    izeros16 = jnp.zeros((16,), jnp.int32)

    def row_body(r, carry):
        pltpu.sync_copy(iou_hbm.at[pl.ds(r * _NJ, _NJ)], rowbuf)
        for t in range((_K + 16) // 16):
            valbuf[pl.ds(t * 16, 16)] = zeros16
            idxbuf[pl.ds(t * 16, 16)] = izeros16

        def chunk(c, cnt):
            v = rowbuf[pl.ds(c * 16, 16)]
            m = v > _THR
            mi = jnp.where(m, 1, 0)
            pos = cnt + plsc.cumsum(mi) - 1
            jv = iota + c * 16
            plsc.store_scatter(idxbuf, [pos], jv, mask=m)
            plsc.store_scatter(valbuf, [pos], v, mask=m)
            return cnt + jnp.sum(mi)

        lax.fori_loop(0, _NJ // 16, chunk, jnp.int32(0))
        pltpu.sync_copy(idxbuf.at[pl.ds(0, _K)], idx_hbm.at[pl.ds(r * _K, _K)])
        pltpu.sync_copy(valbuf.at[pl.ds(0, _K)], val_hbm.at[pl.ds(r * _K, _K)])
        return carry

    lax.fori_loop(r0, r1, row_body, jnp.int32(0))


def _compact_call(iou_flat):
    mesh = plsc.VectorSubcoreMesh(core_axis_name="c", subcore_axis_name="s")
    k = functools.partial(
        pl.kernel,
        mesh=mesh,
        compiler_params=pltpu.CompilerParams(needs_layout_passes=False),
        out_type=[
            jax.ShapeDtypeStruct((_NP,), jnp.int32),
            jax.ShapeDtypeStruct((_NP,), jnp.float32),
        ],
        scratch_types=[
            pltpu.VMEM((_NJ,), jnp.float32),
            pltpu.VMEM((_K + 16,), jnp.int32),
            pltpu.VMEM((_K + 16,), jnp.float32),
        ],
    )(_compact_kernel)
    return k(iou_flat)



def _gather_kernel(table_hbm, idx_hbm, out_hbm, prow0, prow1, idx_v,
                   ob0, ob1):
    wid = lax.axis_index("s") * 2 + lax.axis_index("c")
    r0 = 2 * wid
    pltpu.sync_copy(table_hbm.at[pl.ds(r0 * _NJ, _NJ)], prow0)
    pltpu.sync_copy(table_hbm.at[pl.ds((r0 + 1) * _NJ, _NJ)], prow1)

    def chunk(c, carry):
        base = c * _CH
        pltpu.sync_copy(idx_hbm.at[pl.ds(base, _CH)], idx_v)

        def grp(g, carry2):
            iv = idx_v[pl.ds(g * 16, 16)]
            ob0[pl.ds(g * 16, 16)] = plsc.load_gather(prow0, [iv])
            ob1[pl.ds(g * 16, 16)] = plsc.load_gather(prow1, [iv])
            return carry2

        lax.fori_loop(0, _CH // 16, grp, jnp.int32(0))
        pltpu.sync_copy(ob0, out_hbm.at[pl.ds(r0 * _NP + base, _CH)])
        pltpu.sync_copy(ob1, out_hbm.at[pl.ds((r0 + 1) * _NP + base, _CH)])
        return carry

    lax.fori_loop(0, _NP // _CH, chunk, jnp.int32(0))


def _gather_call(table_flat, idx_flat):
    mesh = plsc.VectorSubcoreMesh(core_axis_name="c", subcore_axis_name="s")
    k = functools.partial(
        pl.kernel,
        mesh=mesh,
        compiler_params=pltpu.CompilerParams(needs_layout_passes=False),
        out_type=jax.ShapeDtypeStruct((_H * _NP,), jnp.float32),
        scratch_types=[
            pltpu.VMEM((_NJ,), jnp.float32),
            pltpu.VMEM((_NJ,), jnp.float32),
            pltpu.VMEM((_CH,), jnp.int32),
            pltpu.VMEM((_CH,), jnp.float32),
            pltpu.VMEM((_CH,), jnp.float32),
        ],
    )(_gather_kernel)
    return k(table_flat, idx_flat)



def _pq_body(xt_ref, bjt_ref, wnt_ref, wmt_ref, gt_ref, b1_ref,
             pt_ref, qt_ref):
    xt = xt_ref[:]
    bjt = bjt_ref[:]
    cx = (bjt[0:1, :] + bjt[2:3, :]) * 0.5
    cy = (bjt[1:2, :] + bjt[3:4, :]) * 0.5
    w = bjt[2:3, :] - bjt[0:1, :]
    h = bjt[3:4, :] - bjt[1:2, :]
    geo_t = jnp.concatenate([cx, cy, w, h], axis=0) * (1.0 / _T)
    hp = jax.lax.Precision.HIGHEST
    gg = jnp.dot(gt_ref[:], geo_t, precision=hp,
                 preferred_element_type=jnp.float32)
    pt_ref[:] = jnp.dot(wnt_ref[:], xt, precision=hp,
                        preferred_element_type=jnp.float32) + gg
    qt_ref[:] = (jnp.dot(wmt_ref[:], xt, precision=hp,
                         preferred_element_type=jnp.float32)
                 - gg + b1_ref[:])


def _pq_call(xt, boxes_t_pad, wnt, wmt, gt, b1_col):
    return pl.pallas_call(
        _pq_body,
        grid=(1,),
        in_specs=[
            pl.BlockSpec((_F, _NJ), lambda i: (0, 0)),
            pl.BlockSpec((4, _NJ), lambda i: (0, 0)),
            pl.BlockSpec((_H, _F), lambda i: (0, 0)),
            pl.BlockSpec((_H, _F), lambda i: (0, 0)),
            pl.BlockSpec((_H, 4), lambda i: (0, 0)),
            pl.BlockSpec((_H, 1), lambda i: (0, 0)),
        ],
        out_specs=[
            pl.BlockSpec((_H, _NJ), lambda i: (0, 0)),
            pl.BlockSpec((_H, _NJ), lambda i: (0, 0)),
        ],
        out_shape=[
            jax.ShapeDtypeStruct((_H, _NJ), jnp.float32),
            jax.ShapeDtypeStruct((_H, _NJ), jnp.float32),
        ],
    )(xt, boxes_t_pad, wnt, wmt, gt, b1_col)



def _pair_body(gpt_ref, qt_ref, vf_ref, xt_ref, g0_ref, w2t_ref, b2_ref,
               wot_ref, bo_ref, out_ref):
    gpt = gpt_ref[:]
    qt_b = qt_ref[:]
    vf = vf_ref[:]
    qrep = pltpu.repeat(qt_b, _K, axis=1)
    vfb = jnp.broadcast_to(vf, (_H, _K * _R))
    h1 = jnp.maximum(gpt + qrep + vfb * g0_ref[:], 0.0)
    y = jnp.dot(w2t_ref[:], h1, precision=jax.lax.Precision.HIGHEST,
                preferred_element_type=jnp.float32)
    y = jnp.where(vfb > _THR, y, -jnp.inf)
    half = _K * _R
    while half > _R:
        half //= 2
        y = jnp.maximum(y[:, :half], y[:, half:2 * half])
    pooled = jnp.maximum(y + b2_ref[:], 0.0)
    out_ref[:] = (xt_ref[:]
                  + jnp.dot(wot_ref[:], pooled,
                            precision=jax.lax.Precision.HIGHEST,
                            preferred_element_type=jnp.float32)
                  + bo_ref[:])


def _pair_call(gpt, qt, vf_row, xt, g0_col, w2t, b2_col, wot, bo_col):
    nt = _NJ // _R
    return pl.pallas_call(
        _pair_body,
        grid=(nt + 1,),
        in_specs=[
            pl.BlockSpec((_H, _R * _K), lambda i: (0, i % nt)),
            pl.BlockSpec((_H, _R), lambda i: (0, i % nt)),
            pl.BlockSpec((1, _R * _K), lambda i: (0, i % nt)),
            pl.BlockSpec((_F, _R), lambda i: (0, i % nt)),
            pl.BlockSpec((_H, 1), lambda i: (0, 0)),
            pl.BlockSpec((_H, _H), lambda i: (0, 0)),
            pl.BlockSpec((_H, 1), lambda i: (0, 0)),
            pl.BlockSpec((_F, _H), lambda i: (0, 0)),
            pl.BlockSpec((_F, 1), lambda i: (0, 0)),
        ],
        out_specs=pl.BlockSpec((_F, _R), lambda i: (0, i % nt)),
        out_shape=jax.ShapeDtypeStruct((_F, _NJ), jnp.float32),
    )(gpt, qt, vf_row, xt, g0_col, w2t, b2_col, wot, bo_col)



def _head_body(xt_ref, w1t_ref, b1_ref, w2t_ref, b2_ref, out_ref):
    hp = jax.lax.Precision.HIGHEST
    hv = jnp.maximum(
        jnp.dot(w1t_ref[:], xt_ref[:], precision=hp,
                preferred_element_type=jnp.float32)
        + b1_ref[:], 0.0)
    out_ref[:] = (jnp.dot(w2t_ref[:], hv, precision=hp,
                          preferred_element_type=jnp.float32)
                  + b2_ref[:])


def _head_call(xt, w1t, b1_col, w2t, b2_col):
    return pl.pallas_call(
        _head_body,
        grid=(1,),
        in_specs=[
            pl.BlockSpec((_F, _NJ), lambda i: (0, 0)),
            pl.BlockSpec((_H, _F), lambda i: (0, 0)),
            pl.BlockSpec((_H, 1), lambda i: (0, 0)),
            pl.BlockSpec((1, _H), lambda i: (0, 0)),
            pl.BlockSpec((1, 1), lambda i: (0, 0)),
        ],
        out_specs=pl.BlockSpec((1, _NJ), lambda i: (0, 0)),
        out_shape=jax.ShapeDtypeStruct((1, _NJ), jnp.float32),
    )(xt, w1t, b1_col, w2t, b2_col)



def kernel(interpolated, rpn_boxes, params):
    boxes = rpn_boxes
    boxes_t_pad = jnp.pad(boxes.T, ((0, 0), (0, _NJ - _N)))
    boxes_pad = jnp.pad(boxes, ((0, _NJ - _N), (0, 0)))
    xt = jnp.pad(interpolated.T, ((0, 0), (0, _NJ - _N)))
    iou = _iou_call(boxes_pad, boxes_t_pad)
    idx_flat, vals = _compact_call(iou.reshape(-1))
    idx_flat = idx_flat.reshape(_NJ // _R, _R, _K).swapaxes(1, 2).reshape(-1)
    vals = vals.reshape(_NJ // _R, _R, _K).swapaxes(1, 2).reshape(-1)
    vf_row = vals.reshape(1, _NP)
    for blk in params["blocks"]:
        w1t = blk["W1"].T
        wnt = w1t[:, :_F]
        wmt = w1t[:, _F:2 * _F]
        g0_col = w1t[:, 2 * _F:2 * _F + 1]
        gt = w1t[:, 2 * _F + 1:2 * _F + 5]
        pt, qt = _pq_call(xt, boxes_t_pad, wnt, wmt, gt,
                          blk["b1"].reshape(_H, 1))
        gpt_flat = _gather_call(pt.reshape(-1), idx_flat)
        gpt = gpt_flat.reshape(_H, _NP)
        xt = _pair_call(gpt, qt, vf_row, xt, g0_col, blk["W2"].T,
                        blk["b2"].reshape(_H, 1), blk["Wo"].T,
                        blk["bo"].reshape(_F, 1))
    fin = params["final"]
    out_t = _head_call(xt, fin["W1"].T, fin["b1"].reshape(_H, 1),
                       fin["W2"].T, fin["b2"].reshape(1, 1))
    return out_t[:, :_N].T

# --- scband reference (transcript-rebuilt; emitter-appended) ---
"""Pipeline reference for scband-block-model-9758165696627 (READ-ONLY COPY).

The authoritative reference and input builder live on the scoring server;
editing this copy changes nothing except your own understanding.
"""

import jax, jax.numpy as jnp
import numpy as np

TILE = 224.0
THRESHOLD = 0.5
N = 5000
F = 65
H = 64
NUM_BLOCKS = 2


def _iou_elem(bi, bj):
    x1 = jnp.maximum(bi[:, 0], bj[:, 0])
    y1 = jnp.maximum(bi[:, 1], bj[:, 1])
    x2 = jnp.minimum(bi[:, 2], bj[:, 2])
    y2 = jnp.minimum(bi[:, 3], bj[:, 3])
    iw = jnp.clip(x2 - x1, 0.0)
    ih = jnp.clip(y2 - y1, 0.0)
    inter = iw * ih
    ai = (bi[:, 2] - bi[:, 0]) * (bi[:, 3] - bi[:, 1])
    aj = (bj[:, 2] - bj[:, 0]) * (bj[:, 3] - bj[:, 1])
    return inter / (ai + aj - inter + 1e-8)


def _pair_indices(boxes):
    # dense pairwise IoU; neighborhoods are rows of the (iou > threshold) mask.
    x1, y1, x2, y2 = boxes[:, 0], boxes[:, 1], boxes[:, 2], boxes[:, 3]
    area = (x2 - x1) * (y2 - y1)
    ix1 = jnp.maximum(x1[:, None], x1[None, :])
    iy1 = jnp.maximum(y1[:, None], y1[None, :])
    ix2 = jnp.minimum(x2[:, None], x2[None, :])
    iy2 = jnp.minimum(y2[:, None], y2[None, :])
    inter = jnp.clip(ix2 - ix1, 0.0) * jnp.clip(iy2 - iy1, 0.0)
    iou = inter / (area[:, None] + area[None, :] - inter + 1e-8)
    return iou > THRESHOLD


def _add_info(bi, bj):
    # per-pair geometric features: iou + normalized center/size deltas
    iou = _iou_elem(bi, bj)
    cxi = (bi[:, 0] + bi[:, 2]) * 0.5
    cyi = (bi[:, 1] + bi[:, 3]) * 0.5
    cxj = (bj[:, 0] + bj[:, 2]) * 0.5
    cyj = (bj[:, 1] + bj[:, 3]) * 0.5
    dx = (cxj - cxi) / TILE
    dy = (cyj - cyi) / TILE
    dw = ((bj[:, 2] - bj[:, 0]) - (bi[:, 2] - bi[:, 0])) / TILE
    dh = ((bj[:, 3] - bj[:, 1]) - (bi[:, 3] - bi[:, 1])) / TILE
    return jnp.stack([iou, dx, dy, dw, dh], axis=1)


def setup_inputs(seed: int = 0):
    key = jax.random.key(seed)
    ks = jax.random.split(key, 24)
    interpolated = jax.random.normal(ks[0], (N, F), dtype=jnp.float32) * 0.1
    u = jax.random.uniform(ks[1], (N, 4), dtype=jnp.float32)
    cx = u[:, 0] * TILE
    cy = u[:, 1] * TILE
    w = 20.0 + u[:, 2] * 40.0
    h = 20.0 + u[:, 3] * 40.0
    rpn_boxes = jnp.stack([cx - w / 2, cy - h / 2, cx + w / 2, cy + h / 2], axis=1)
    Din = 2 * F + 5
    blocks = []
    kidx = 2
    for _ in range(NUM_BLOCKS):
        W1 = jax.random.normal(ks[kidx], (Din, H), dtype=jnp.float32) / np.sqrt(Din); kidx += 1
        b1 = jnp.zeros((H,), dtype=jnp.float32)
        W2 = jax.random.normal(ks[kidx], (H, H), dtype=jnp.float32) / np.sqrt(H); kidx += 1
        b2 = jnp.zeros((H,), dtype=jnp.float32)
        Wo = jax.random.normal(ks[kidx], (H, F), dtype=jnp.float32) / np.sqrt(H); kidx += 1
        bo = jnp.zeros((F,), dtype=jnp.float32)
        blocks.append({"W1": W1, "b1": b1, "W2": W2, "b2": b2, "Wo": Wo, "bo": bo})
    Wf1 = jax.random.normal(ks[kidx], (F, H), dtype=jnp.float32) / np.sqrt(F); kidx += 1
    bf1 = jnp.zeros((H,), dtype=jnp.float32)
    Wf2 = jax.random.normal(ks[kidx], (H, 1), dtype=jnp.float32) / np.sqrt(H); kidx += 1
    bf2 = jnp.zeros((1,), dtype=jnp.float32)
    params = {"blocks": blocks, "final": {"W1": Wf1, "b1": bf1, "W2": Wf2, "b2": bf2}}
    return {"interpolated": interpolated, "rpn_boxes": rpn_boxes, "params": params}


def reference(interpolated, rpn_boxes, params):
    mask = _pair_indices(rpn_boxes)
    x = interpolated
    n = x.shape[0]
    for blk in params["blocks"]:
        def body(i, pooled):
            bi = jnp.broadcast_to(rpn_boxes[i], (n, 4))
            add_info = _add_info(bi, rpn_boxes)
            neigh = x
            main = jnp.broadcast_to(x[i], (n, x.shape[1]))
            nb = jnp.concatenate([neigh, main, add_info], axis=1)
            hdd = jax.nn.relu(nb @ blk["W1"] + blk["b1"])
            hdd = jax.nn.relu(hdd @ blk["W2"] + blk["b2"])
            # max-pool each neighborhood back to a single representation
            row = jnp.max(jnp.where(mask[i][:, None], hdd, -jnp.inf), axis=0)
            return pooled.at[i].set(row)
        pooled = jax.lax.fori_loop(0, n, body, jnp.zeros((n, H), dtype=x.dtype))
        out = pooled @ blk["Wo"] + blk["bo"]
        x = x + out
    f = params["final"]
    hf = jax.nn.relu(x @ f["W1"] + f["b1"])
    return hf @ f["W2"] + f["b2"]

if __name__ == "__main__":
    import jax
    _d = setup_inputs()
    print(jax.jit(kernel)(*tuple(_d.values())))

</pallas_src>

<mosaic_0001>
#map = affine_map<(d0, d1) -> (0)>
module attributes {stable_mosaic.version = 14 : i64} {
  func.func @_gather_kernel(%arg0: i32, %arg1: i32, %arg2: memref<327680xf32, #tpu.memory_space<hbm>>, %arg3: memref<655360xi32, #tpu.memory_space<hbm>>, %arg4: memref<41943040xf32, #tpu.memory_space<hbm>>, %arg5: memref<5120xf32, #tpu.memory_space<vmem>>, %arg6: memref<5120xf32, #tpu.memory_space<vmem>>, %arg7: memref<8192xi32, #tpu.memory_space<vmem>>, %arg8: memref<8192xf32, #tpu.memory_space<vmem>>, %arg9: memref<8192xf32, #tpu.memory_space<vmem>>) attributes {dimension_semantics = [#tpu.dimension_semantics<core_parallel>, #tpu.dimension_semantics<subcore_parallel>], iteration_bounds = array<i64: 2, 16>, scalar_prefetch = 0 : i64, scratch_operands = 5 : i64, tpu.core_type = #tpu.core_type<sc_vector_subcore>, window_params = [{transform_indices = #map}, {transform_indices = #map}, {transform_indices = #map}]} {
    %mul3A = arith.constant 2 : i32
    %mul3A_0 = arith.muli %arg1, %mul3A : i32
    %add3A = arith.addi %mul3A_0, %arg0 : i32
    %mul3A_1 = arith.constant 2 : i32
    %mul3A_2 = arith.muli %mul3A_1, %add3A : i32
    %mul3A_3 = arith.constant 5120 : i32
    %mul3A_4 = arith.muli %mul3A_2, %mul3A_3 : i32
    "tpu.region"() ({
      %run_scoped3A = tpu.sem_alloc : memref<!tpu.dma_semaphore, #tpu.memory_space<semaphore_mem>>
      %dma_start3A = tpu.memref_slice %arg2[%mul3A_4] : memref<327680xf32, #tpu.memory_space<hbm>> -> memref<5120xf32, #tpu.memory_space<hbm>>
      %dma_start3A_14 = tpu.memref_slice %arg2[%mul3A_4] : memref<327680xf32, #tpu.memory_space<hbm>> -> memref<5120xf32, #tpu.memory_space<hbm>>
      tpu.enqueue_dma source(%dma_start3A_14 : memref<5120xf32, #tpu.memory_space<hbm>>) target(%arg5 : memref<5120xf32, #tpu.memory_space<vmem>>) target_semaphore(%run_scoped3A : memref<!tpu.dma_semaphore, #tpu.memory_space<semaphore_mem>>)
      %dma_wait3A = tpu.memref_slice %arg2[%mul3A_4] : memref<327680xf32, #tpu.memory_space<hbm>> -> memref<5120xf32, #tpu.memory_space<hbm>>
      %dma_wait3A_15 = tpu.memref_slice %arg2[%mul3A_4] : memref<327680xf32, #tpu.memory_space<hbm>> -> memref<5120xf32, #tpu.memory_space<hbm>>
      tpu.wait_dma2 semaphore(%run_scoped3A : memref<!tpu.dma_semaphore, #tpu.memory_space<semaphore_mem>>) src(%dma_wait3A_15 : memref<5120xf32, #tpu.memory_space<hbm>>) dst(%arg5 : memref<5120xf32, #tpu.memory_space<vmem>>)
      tpu.yield
    }) : () -> ()
    %add3A_5 = arith.constant 1 : i32
    %add3A_6 = arith.addi %mul3A_2, %add3A_5 : i32
    %mul3A_7 = arith.constant 5120 : i32
    %mul3A_8 = arith.muli %add3A_6, %mul3A_7 : i32
    "tpu.region"() ({
      %run_scoped3A = tpu.sem_alloc : memref<!tpu.dma_semaphore, #tpu.memory_space<semaphore_mem>>
      %dma_start3A = tpu.memref_slice %arg2[%mul3A_8] : memref<327680xf32, #tpu.memory_space<hbm>> -> memref<5120xf32, #tpu.memory_space<hbm>>
      %dma_start3A_14 = tpu.memref_slice %arg2[%mul3A_8] : memref<327680xf32, #tpu.memory_space<hbm>> -> memref<5120xf32, #tpu.memory_space<hbm>>
      tpu.enqueue_dma source(%dma_start3A_14 : memref<5120xf32, #tpu.memory_space<hbm>>) target(%arg6 : memref<5120xf32, #tpu.memory_space<vmem>>) target_semaphore(%run_scoped3A : memref<!tpu.dma_semaphore, #tpu.memory_space<semaphore_mem>>)
      %dma_wait3A = tpu.memref_slice %arg2[%mul3A_8] : memref<327680xf32, #tpu.memory_space<hbm>> -> memref<5120xf32, #tpu.memory_space<hbm>>
      %dma_wait3A_15 = tpu.memref_slice %arg2[%mul3A_8] : memref<327680xf32, #tpu.memory_space<hbm>> -> memref<5120xf32, #tpu.memory_space<hbm>>
      tpu.wait_dma2 semaphore(%run_scoped3A : memref<!tpu.dma_semaphore, #tpu.memory_space<semaphore_mem>>) src(%dma_wait3A_15 : memref<5120xf32, #tpu.memory_space<hbm>>) dst(%arg6 : memref<5120xf32, #tpu.memory_space<vmem>>)
      tpu.yield
    }) : () -> ()
    %scan3A = arith.constant 0 : i32
    %scan3A_9 = arith.constant 0 : i32
    %scan3A_10 = arith.constant 80 : i32
    %scan3A_11 = arith.addi %scan3A_9, %scan3A_10 : i32
    %scan3A_12 = arith.constant 1 : i32
    scf.for %scan3A_14 = %scan3A_9 to %scan3A_11 step %scan3A_12  : i32 {
      %mul3A_15 = arith.constant 8192 : i32
      %mul3A_16 = arith.muli %scan3A_14, %mul3A_15 : i32
      "tpu.region"() ({
        %run_scoped3A = tpu.sem_alloc : memref<!tpu.dma_semaphore, #tpu.memory_space<semaphore_mem>>
        %dma_start3A = tpu.memref_slice %arg3[%mul3A_16] : memref<655360xi32, #tpu.memory_space<hbm>> -> memref<8192xi32, #tpu.memory_space<hbm>>
        %dma_start3A_31 = tpu.memref_slice %arg3[%mul3A_16] : memref<655360xi32, #tpu.memory_space<hbm>> -> memref<8192xi32, #tpu.memory_space<hbm>>
        tpu.enqueue_dma source(%dma_start3A_31 : memref<8192xi32, #tpu.memory_space<hbm>>) target(%arg7 : memref<8192xi32, #tpu.memory_space<vmem>>) target_semaphore(%run_scoped3A : memref<!tpu.dma_semaphore, #tpu.memory_space<semaphore_mem>>)
        %dma_wait3A = tpu.memref_slice %arg3[%mul3A_16] : memref<655360xi32, #tpu.memory_space<hbm>> -> memref<8192xi32, #tpu.memory_space<hbm>>
        %dma_wait3A_32 = tpu.memref_slice %arg3[%mul3A_16] : memref<655360xi32, #tpu.memory_space<hbm>> -> memref<8192xi32, #tpu.memory_space<hbm>>
        tpu.wait_dma2 semaphore(%run_scoped3A : memref<!tpu.dma_semaphore, #tpu.memory_space<semaphore_mem>>) src(%dma_wait3A_32 : memref<8192xi32, #tpu.memory_space<hbm>>) dst(%arg7 : memref<8192xi32, #tpu.memory_space<vmem>>)
        tpu.yield
      }) : () -> ()
      %scan3A_17 = arith.constant 0 : i32
      %scan3A_18 = arith.constant 0 : i32
      %scan3A_19 = arith.constant 512 : i32
      %scan3A_20 = arith.addi %scan3A_18, %scan3A_19 : i32
      %scan3A_21 = arith.constant 1 : i32
      scf.for %scan3A_31 = %scan3A_18 to %scan3A_20 step %scan3A_21  : i32 {
        %mul3A_32 = arith.constant 16 : i32
        %mul3A_33 = arith.muli %scan3A_31, %mul3A_32 : i32
        %get3A = arith.index_cast %mul3A_33 : i32 to index
        %get3A_34 = tpu.vector_load %arg7[%get3A] {strides = array<i32>} : memref<8192xi32, #tpu.memory_space<vmem>>, vector<16xi32>,
        %gather3A = tpu.vector_load_idx %arg5[%get3A_34] : memref<5120xf32, #tpu.memory_space<vmem>>[vector<16xi32>], vector<16xf32>,
        %mul3A_35 = arith.constant 16 : i32
        %mul3A_36 = arith.muli %scan3A_31, %mul3A_35 : i32
        %swap3A = arith.index_cast %mul3A_36 : i32 to index
        %swap3A_37 = tpu.vector_load %arg8[%swap3A] {strides = array<i32>} : memref<8192xf32, #tpu.memory_space<vmem>>, vector<16xf32>,
        tpu.vector_store %arg8[%swap3A], %gather3A {strides = array<i32>} : memref<8192xf32, #tpu.memory_space<vmem>>, vector<16xf32>,
        %gather3A_38 = tpu.vector_load_idx %arg6[%get3A_34] : memref<5120xf32, #tpu.memory_space<vmem>>[vector<16xi32>], vector<16xf32>,
        %mul3A_39 = arith.constant 16 : i32
        %mul3A_40 = arith.muli %scan3A_31, %mul3A_39 : i32
        %swap3A_41 = arith.index_cast %mul3A_40 : i32 to index
        %swap3A_42 = tpu.vector_load %arg9[%swap3A_41] {strides = array<i32>} : memref<8192xf32, #tpu.memory_space<vmem>>, vector<16xf32>,
        tpu.vector_store %arg9[%swap3A_41], %gather3A_38 {strides = array<i32>} : memref<8192xf32, #tpu.memory_space<vmem>>, vector<16xf32>,
      }
      %scan3A_22 = arith.constant 512 : i32
      %mul3A_23 = arith.constant 655360 : i32
      %mul3A_24 = arith.muli %mul3A_2, %mul3A_23 : i32
      %add3A_25 = arith.addi %mul3A_24, %mul3A_16 : i32
      "tpu.region"() ({
        %run_scoped3A = tpu.sem_alloc : memref<!tpu.dma_semaphore, #tpu.memory_space<semaphore_mem>>
        %dma_start3A = tpu.memref_slice %arg4[%add3A_25] : memref<41943040xf32, #tpu.memory_space<hbm>> -> memref<8192xf32, #tpu.memory_space<hbm>>
        %dma_start3A_31 = tpu.memref_slice %arg4[%add3A_25] : memref<41943040xf32, #tpu.memory_space<hbm>> -> memref<8192xf32, #tpu.memory_space<hbm>>
        tpu.enqueue_dma source(%arg8 : memref<8192xf32, #tpu.memory_space<vmem>>) target(%dma_start3A_31 : memref<8192xf32, #tpu.memory_space<hbm>>) target_semaphore(%run_scoped3A : memref<!tpu.dma_semaphore, #tpu.memory_space<semaphore_mem>>)
        %dma_wait3A = tpu.memref_slice %arg4[%add3A_25] : memref<41943040xf32, #tpu.memory_space<hbm>> -> memref<8192xf32, #tpu.memory_space<hbm>>
        %dma_wait3A_32 = tpu.memref_slice %arg4[%add3A_25] : memref<41943040xf32, #tpu.memory_space<hbm>> -> memref<8192xf32, #tpu.memory_space<hbm>>
        tpu.wait_dma2 semaphore(%run_scoped3A : memref<!tpu.dma_semaphore, #tpu.memory_space<semaphore_mem>>) src(%arg8 : memref<8192xf32, #tpu.memory_space<vmem>>) dst(%dma_wait3A_32 : memref<8192xf32, #tpu.memory_space<hbm>>)
        tpu.yield
      }) : () -> ()
      %add3A_26 = arith.constant 1 : i32
      %add3A_27 = arith.addi %mul3A_2, %add3A_26 : i32
      %mul3A_28 = arith.constant 655360 : i32
      %mul3A_29 = arith.muli %add3A_27, %mul3A_28 : i32
      %add3A_30 = arith.addi %mul3A_29, %mul3A_16 : i32
      "tpu.region"() ({
        %run_scoped3A = tpu.sem_alloc : memref<!tpu.dma_semaphore, #tpu.memory_space<semaphore_mem>>
        %dma_start3A = tpu.memref_slice %arg4[%add3A_30] : memref<41943040xf32, #tpu.memory_space<hbm>> -> memref<8192xf32, #tpu.memory_space<hbm>>
        %dma_start3A_31 = tpu.memref_slice %arg4[%add3A_30] : memref<41943040xf32, #tpu.memory_space<hbm>> -> memref<8192xf32, #tpu.memory_space<hbm>>
        tpu.enqueue_dma source(%arg9 : memref<8192xf32, #tpu.memory_space<vmem>>) target(%dma_start3A_31 : memref<8192xf32, #tpu.memory_space<hbm>>) target_semaphore(%run_scoped3A : memref<!tpu.dma_semaphore, #tpu.memory_space<semaphore_mem>>)
        %dma_wait3A = tpu.memref_slice %arg4[%add3A_30] : memref<41943040xf32, #tpu.memory_space<hbm>> -> memref<8192xf32, #tpu.memory_space<hbm>>
        %dma_wait3A_32 = tpu.memref_slice %arg4[%add3A_30] : memref<41943040xf32, #tpu.memory_space<hbm>> -> memref<8192xf32, #tpu.memory_space<hbm>>
        tpu.wait_dma2 semaphore(%run_scoped3A : memref<!tpu.dma_semaphore, #tpu.memory_space<semaphore_mem>>) src(%arg9 : memref<8192xf32, #tpu.memory_space<vmem>>) dst(%dma_wait3A_32 : memref<8192xf32, #tpu.memory_space<hbm>>)
        tpu.yield
      }) : () -> ()
    }
    %scan3A_13 = arith.constant 80 : i32
    return
  }
}

#map = affine_map<(d0, d1) -> (0)>
module attributes {stable_mosaic.version = 14 : i64} {
  func.func @_compact_kernel(%arg0: i32, %arg1: i32, %arg2: memref<26214400xf32, #tpu.memory_space<hbm>>, %arg3: memref<655360xi32, #tpu.memory_space<hbm>>, %arg4: memref<655360xf32, #tpu.memory_space<hbm>>, %arg5: memref<5120xf32, #tpu.memory_space<vmem>>, %arg6: memref<144xi32, #tpu.memory_space<vmem>>, %arg7: memref<144xf32, #tpu.memory_space<vmem>>) attributes {dimension_semantics = [#tpu.dimension_semantics<core_parallel>, #tpu.dimension_semantics<subcore_parallel>], iteration_bounds = array<i64: 2, 16>, scalar_prefetch = 0 : i64, scratch_operands = 3 : i64, tpu.core_type = #tpu.core_type<sc_vector_subcore>, window_params = [{transform_indices = #map}, {transform_indices = #map}, {transform_indices = #map}]} {
    %mul3A = arith.constant 2 : i32
    %mul3A_0 = arith.muli %arg1, %mul3A : i32
    %add3A = arith.addi %mul3A_0, %arg0 : i32
    %mul3A_1 = arith.constant 160 : i32
    %mul3A_2 = arith.muli %add3A, %mul3A_1 : i32
    %add3A_3 = arith.constant 160 : i32
    %add3A_4 = arith.addi %mul3A_2, %add3A_3 : i32
    %iota3A = tpu.iota {dimensions = array<i32: 0>} : vector<16xi32>
    %broadcast_in_dim3A = arith.constant 0.000000e+00 : f32
    %broadcast_in_dim3A_5 = vector.broadcast %broadcast_in_dim3A : f32 to vector<16xf32>
    %broadcast_in_dim3A_6 = arith.constant 0 : i32
    %broadcast_in_dim3A_7 = vector.broadcast %broadcast_in_dim3A_6 : i32 to vector<16xi32>
    %while3A = arith.constant 0 : i32
    %while3A_8 = arith.subi %add3A_4, %mul3A_2 : i32
    %while3A_9 = arith.addi %mul3A_2, %while3A_8 : i32
    %while3A_10 = arith.constant 1 : i32
    %while3A_11 = arith.divsi %while3A_8, %while3A_10 : i32
    %while3A_12 = arith.muli %while3A_11, %while3A_10 : i32
    %while3A_13 = arith.addi %mul3A_2, %while3A_12 : i32
    %while3A_14 = arith.constant 1 : i32
    scf.for %while3A_16 = %mul3A_2 to %while3A_13 step %while3A_14  : i32 {
      %mul3A_17 = arith.constant 5120 : i32
      %mul3A_18 = arith.muli %while3A_16, %mul3A_17 : i32
      "tpu.region"() ({
        %run_scoped3A = tpu.sem_alloc : memref<!tpu.dma_semaphore, #tpu.memory_space<semaphore_mem>>
        %dma_start3A = tpu.memref_slice %arg2[%mul3A_18] : memref<26214400xf32, #tpu.memory_space<hbm>> -> memref<5120xf32, #tpu.memory_space<hbm>>
        %dma_start3A_64 = tpu.memref_slice %arg2[%mul3A_18] : memref<26214400xf32, #tpu.memory_space<hbm>> -> memref<5120xf32, #tpu.memory_space<hbm>>
        tpu.enqueue_dma source(%dma_start3A_64 : memref<5120xf32, #tpu.memory_space<hbm>>) target(%arg5 : memref<5120xf32, #tpu.memory_space<vmem>>) target_semaphore(%run_scoped3A : memref<!tpu.dma_semaphore, #tpu.memory_space<semaphore_mem>>)
        %dma_wait3A = tpu.memref_slice %arg2[%mul3A_18] : memref<26214400xf32, #tpu.memory_space<hbm>> -> memref<5120xf32, #tpu.memory_space<hbm>>
        %dma_wait3A_65 = tpu.memref_slice %arg2[%mul3A_18] : memref<26214400xf32, #tpu.memory_space<hbm>> -> memref<5120xf32, #tpu.memory_space<hbm>>
        tpu.wait_dma2 semaphore(%run_scoped3A : memref<!tpu.dma_semaphore, #tpu.memory_space<semaphore_mem>>) src(%dma_wait3A_65 : memref<5120xf32, #tpu.memory_space<hbm>>) dst(%arg5 : memref<5120xf32, #tpu.memory_space<vmem>>)
        tpu.yield
      }) : () -> ()
      %swap3A = arith.constant 0 : index
      %swap3A_19 = tpu.vector_load %arg7[%swap3A] {strides = array<i32>} : memref<144xf32, #tpu.memory_space<vmem>>, vector<16xf32>,
      tpu.vector_store %arg7[%swap3A], %broadcast_in_dim3A_5 {strides = array<i32>} : memref<144xf32, #tpu.memory_space<vmem>>, vector<16xf32>,
      %swap3A_20 = arith.constant 0 : index
      %swap3A_21 = tpu.vector_load %arg6[%swap3A_20] {strides = array<i32>} : memref<144xi32, #tpu.memory_space<vmem>>, vector<16xi32>,
      tpu.vector_store %arg6[%swap3A_20], %broadcast_in_dim3A_7 {strides = array<i32>} : memref<144xi32, #tpu.memory_space<vmem>>, vector<16xi32>,
      %swap3A_22 = arith.constant 16 : index
      %swap3A_23 = tpu.vector_load %arg7[%swap3A_22] {strides = array<i32>} : memref<144xf32, #tpu.memory_space<vmem>>, vector<16xf32>,
      tpu.vector_store %arg7[%swap3A_22], %broadcast_in_dim3A_5 {strides = array<i32>} : memref<144xf32, #tpu.memory_space<vmem>>, vector<16xf32>,
      %swap3A_24 = arith.constant 16 : index
      %swap3A_25 = tpu.vector_load %arg6[%swap3A_24] {strides = array<i32>} : memref<144xi32, #tpu.memory_space<vmem>>, vector<16xi32>,
      tpu.vector_store %arg6[%swap3A_24], %broadcast_in_dim3A_7 {strides = array<i32>} : memref<144xi32, #tpu.memory_space<vmem>>, vector<16xi32>,
      %swap3A_26 = arith.constant 32 : index
      %swap3A_27 = tpu.vector_load %arg7[%swap3A_26] {strides = array<i32>} : memref<144xf32, #tpu.memory_space<vmem>>, vector<16xf32>,
      tpu.vector_store %arg7[%swap3A_26], %broadcast_in_dim3A_5 {strides = array<i32>} : memref<144xf32, #tpu.memory_space<vmem>>, vector<16xf32>,
      %swap3A_28 = arith.constant 32 : index
      %swap3A_29 = tpu.vector_load %arg6[%swap3A_28] {strides = array<i32>} : memref<144xi32, #tpu.memory_space<vmem>>, vector<16xi32>,
      tpu.vector_store %arg6[%swap3A_28], %broadcast_in_dim3A_7 {strides = array<i32>} : memref<144xi32, #tpu.memory_space<vmem>>, vector<16xi32>,
      %swap3A_30 = arith.constant 48 : index
      %swap3A_31 = tpu.vector_load %arg7[%swap3A_30] {strides = array<i32>} : memref<144xf32, #tpu.memory_space<vmem>>, vector<16xf32>,
      tpu.vector_store %arg7[%swap3A_30], %broadcast_in_dim3A_5 {strides = array<i32>} : memref<144xf32, #tpu.memory_space<vmem>>, vector<16xf32>,
      %swap3A_32 = arith.constant 48 : index
      %swap3A_33 = tpu.vector_load %arg6[%swap3A_32] {strides = array<i32>} : memref<144xi32, #tpu.memory_space<vmem>>, vector<16xi32>,
      tpu.vector_store %arg6[%swap3A_32], %broadcast_in_dim3A_7 {strides = array<i32>} : memref<144xi32, #tpu.memory_space<vmem>>, vector<16xi32>,
      %swap3A_34 = arith.constant 64 : index
      %swap3A_35 = tpu.vector_load %arg7[%swap3A_34] {strides = array<i32>} : memref<144xf32, #tpu.memory_space<vmem>>, vector<16xf32>,
      tpu.vector_store %arg7[%swap3A_34], %broadcast_in_dim3A_5 {strides = array<i32>} : memref<144xf32, #tpu.memory_space<vmem>>, vector<16xf32>,
      %swap3A_36 = arith.constant 64 : index
      %swap3A_37 = tpu.vector_load %arg6[%swap3A_36] {strides = array<i32>} : memref<144xi32, #tpu.memory_space<vmem>>, vector<16xi32>,
      tpu.vector_store %arg6[%swap3A_36], %broadcast_in_dim3A_7 {strides = array<i32>} : memref<144xi32, #tpu.memory_space<vmem>>, vector<16xi32>,
      %swap3A_38 = arith.constant 80 : index
      %swap3A_39 = tpu.vector_load %arg7[%swap3A_38] {strides = array<i32>} : memref<144xf32, #tpu.memory_space<vmem>>, vector<16xf32>,
      tpu.vector_store %arg7[%swap3A_38], %broadcast_in_dim3A_5 {strides = array<i32>} : memref<144xf32, #tpu.memory_space<vmem>>, vector<16xf32>,
      %swap3A_40 = arith.constant 80 : index
      %swap3A_41 = tpu.vector_load %arg6[%swap3A_40] {strides = array<i32>} : memref<144xi32, #tpu.memory_space<vmem>>, vector<16xi32>,
      tpu.vector_store %arg6[%swap3A_40], %broadcast_in_dim3A_7 {strides = array<i32>} : memref<144xi32, #tpu.memory_space<vmem>>, vector<16xi32>,
      %swap3A_42 = arith.constant 96 : index
      %swap3A_43 = tpu.vector_load %arg7[%swap3A_42] {strides = array<i32>} : memref<144xf32, #tpu.memory_space<vmem>>, vector<16xf32>,
      tpu.vector_store %arg7[%swap3A_42], %broadcast_in_dim3A_5 {strides = array<i32>} : memref<144xf32, #tpu.memory_space<vmem>>, vector<16xf32>,
      %swap3A_44 = arith.constant 96 : index
      %swap3A_45 = tpu.vector_load %arg6[%swap3A_44] {strides = array<i32>} : memref<144xi32, #tpu.memory_space<vmem>>, vector<16xi32>,
      tpu.vector_store %arg6[%swap3A_44], %broadcast_in_dim3A_7 {strides = array<i32>} : memref<144xi32, #tpu.memory_space<vmem>>, vector<16xi32>,
      %swap3A_46 = arith.constant 112 : index
      %swap3A_47 = tpu.vector_load %arg7[%swap3A_46] {strides = array<i32>} : memref<144xf32, #tpu.memory_space<vmem>>, vector<16xf32>,
      tpu.vector_store %arg7[%swap3A_46], %broadcast_in_dim3A_5 {strides = array<i32>} : memref<144xf32, #tpu.memory_space<vmem>>, vector<16xf32>,
      %swap3A_48 = arith.constant 112 : index
      %swap3A_49 = tpu.vector_load %arg6[%swap3A_48] {strides = array<i32>} : memref<144xi32, #tpu.memory_space<vmem>>, vector<16xi32>,
      tpu.vector_store %arg6[%swap3A_48], %broadcast_in_dim3A_7 {strides = array<i32>} : memref<144xi32, #tpu.memory_space<vmem>>, vector<16xi32>,
      %swap3A_50 = arith.constant 128 : index
      %swap3A_51 = tpu.vector_load %arg7[%swap3A_50] {strides = array<i32>} : memref<144xf32, #tpu.memory_space<vmem>>, vector<16xf32>,
      tpu.vector_store %arg7[%swap3A_50], %broadcast_in_dim3A_5 {strides = array<i32>} : memref<144xf32, #tpu.memory_space<vmem>>, vector<16xf32>,
      %swap3A_52 = arith.constant 128 : index
      %swap3A_53 = tpu.vector_load %arg6[%swap3A_52] {strides = array<i32>} : memref<144xi32, #tpu.memory_space<vmem>>, vector<16xi32>,
      tpu.vector_store %arg6[%swap3A_52], %broadcast_in_dim3A_7 {strides = array<i32>} : memref<144xi32, #tpu.memory_space<vmem>>, vector<16xi32>,
      %scan3A = arith.constant 0 : i32
      %scan3A_54 = arith.constant 0 : i32
      %scan3A_55 = arith.constant 320 : i32
      %scan3A_56 = arith.addi %scan3A_54, %scan3A_55 : i32
      %scan3A_57 = arith.constant 1 : i32
      %scan3A_58 = scf.for %scan3A_64 = %scan3A_54 to %scan3A_56 step %scan3A_57 iter_args(%scan3A_65 = %scan3A) -> (i32)  : i32 {
        %mul3A_66 = arith.constant 16 : i32
        %mul3A_67 = arith.muli %scan3A_64, %mul3A_66 : i32
        %get3A = arith.index_cast %mul3A_67 : i32 to index
        %get3A_68 = tpu.vector_load %arg5[%get3A] {strides = array<i32>} : memref<5120xf32, #tpu.memory_space<vmem>>, vector<16xf32>,
        %gt3A = arith.constant 5.000000e-01 : f32
        %gt3A_69 = vector.broadcast %gt3A : f32 to vector<16xf32>
        %gt3A_70 = arith.cmpf ogt, %get3A_68, %gt3A_69 : vector<16xf32>
        %jit3A = arith.constant 1 : i32
        %jit3A_71 = arith.constant 0 : i32
        %broadcast_in_dim3A_72 = vector.broadcast %jit3A : i32 to vector<16xi32>
        %broadcast_in_dim3A_73 = vector.broadcast %jit3A_71 : i32 to vector<16xi32>
        %select_n3A = arith.select %gt3A_70, %broadcast_in_dim3A_72, %broadcast_in_dim3A_73 : vector<16xi1>, vector<16xi32>
        %broadcast_in_dim3A_74 = arith.constant true
        %broadcast_in_dim3A_75 = vector.broadcast %broadcast_in_dim3A_74 : i1 to vector<16xi1>
        %masked_cumsum3A = tpu.scan <sum>, %select_n3A masked %broadcast_in_dim3A_75 : vector<16xi32>, vector<16xi1> -> vector<16xi32>
        %add3A_76 = vector.broadcast %scan3A_65 : i32 to vector<16xi32>
        %add3A_77 = arith.addi %add3A_76, %masked_cumsum3A : vector<16xi32>
        %sub3A = arith.constant 1 : i32
        %sub3A_78 = vector.broadcast %sub3A : i32 to vector<16xi32>
        %sub3A_79 = arith.subi %add3A_77, %sub3A_78 : vector<16xi32>
        %mul3A_80 = arith.constant 16 : i32
        %mul3A_81 = arith.muli %scan3A_64, %mul3A_80 : i32
        %add3A_82 = vector.broadcast %mul3A_81 : i32 to vector<16xi32>
        %add3A_83 = arith.addi %iota3A, %add3A_82 : vector<16xi32>
        tpu.vector_store_idx %arg6[%sub3A_79], %add3A_83 masked %gt3A_70 : memref<144xi32, #tpu.memory_space<vmem>>[vector<16xi32>], vector<16xi32>, vector<16xi1>
        tpu.vector_store_idx %arg7[%sub3A_79], %get3A_68 masked %gt3A_70 : memref<144xf32, #tpu.memory_space<vmem>>[vector<16xi32>], vector<16xf32>, vector<16xi1>
        %reduce_sum3A = arith.constant true
        %reduce_sum3A_84 = vector.broadcast %reduce_sum3A : i1 to vector<16xi1>
        %reduce_sum3A_85 = tpu.scan <sum>, %select_n3A masked %reduce_sum3A_84 : vector<16xi32>, vector<16xi1> -> vector<16xi32>
        %reduce_sum3A_86 = vector.extract %reduce_sum3A_85[15] : i32 from vector<16xi32>
        %add3A_87 = arith.addi %scan3A_65, %reduce_sum3A_86 : i32
        scf.yield %add3A_87 : i32
      }
      %scan3A_59 = arith.constant 320 : i32
      %mul3A_60 = arith.constant 128 : i32
      %mul3A_61 = arith.muli %while3A_16, %mul3A_60 : i32
      "tpu.region"() ({
        %run_scoped3A = tpu.sem_alloc : memref<!tpu.dma_semaphore, #tpu.memory_space<semaphore_mem>>
        %dma_start3A = arith.constant 0 : i32
        %dma_start3A_64 = tpu.memref_slice %arg6[%dma_start3A] : memref<144xi32, #tpu.memory_space<vmem>> -> memref<128xi32, #tpu.memory_space<vmem>>
        %dma_start3A_65 = tpu.memref_slice %arg3[%mul3A_61] : memref<655360xi32, #tpu.memory_space<hbm>> -> memref<128xi32, #tpu.memory_space<hbm>>
        %dma_start3A_66 = tpu.memref_slice %arg3[%mul3A_61] : memref<655360xi32, #tpu.memory_space<hbm>> -> memref<128xi32, #tpu.memory_space<hbm>>
        %dma_start3A_67 = arith.constant 0 : i32
        %dma_start3A_68 = tpu.memref_slice %arg6[%dma_start3A_67] : memref<144xi32, #tpu.memory_space<vmem>> -> memref<128xi32, #tpu.memory_space<vmem>>
        tpu.enqueue_dma source(%dma_start3A_68 : memref<128xi32, #tpu.memory_space<vmem>>) target(%dma_start3A_66 : memref<128xi32, #tpu.memory_space<hbm>>) target_semaphore(%run_scoped3A : memref<!tpu.dma_semaphore, #tpu.memory_space<semaphore_mem>>)
        %dma_wait3A = arith.constant 0 : i32
        %dma_wait3A_69 = tpu.memref_slice %arg6[%dma_wait3A] : memref<144xi32, #tpu.memory_space<vmem>> -> memref<128xi32, #tpu.memory_space<vmem>>
        %dma_wait3A_70 = tpu.memref_slice %arg3[%mul3A_61] : memref<655360xi32, #tpu.memory_space<hbm>> -> memref<128xi32, #tpu.memory_space<hbm>>
        %dma_wait3A_71 = tpu.memref_slice %arg3[%mul3A_61] : memref<655360xi32, #tpu.memory_space<hbm>> -> memref<128xi32, #tpu.memory_space<hbm>>
        %dma_wait3A_72 = arith.constant 0 : i32
        %dma_wait3A_73 = tpu.memref_slice %arg6[%dma_wait3A_72] : memref<144xi32, #tpu.memory_space<vmem>> -> memref<128xi32, #tpu.memory_space<vmem>>
        tpu.wait_dma2 semaphore(%run_scoped3A : memref<!tpu.dma_semaphore, #tpu.memory_space<semaphore_mem>>) src(%dma_wait3A_73 : memref<128xi32, #tpu.memory_space<vmem>>) dst(%dma_wait3A_71 : memref<128xi32, #tpu.memory_space<hbm>>)
        tpu.yield
      }) : () -> ()
      %mul3A_62 = arith.constant 128 : i32
      %mul3A_63 = arith.muli %while3A_16, %mul3A_62 : i32
      "tpu.region"() ({
        %run_scoped3A = tpu.sem_alloc : memref<!tpu.dma_semaphore, #tpu.memory_space<semaphore_mem>>
        %dma_start3A = arith.constant 0 : i32
        %dma_start3A_64 = tpu.memref_slice %arg7[%dma_start3A] : memref<144xf32, #tpu.memory_space<vmem>> -> memref<128xf32, #tpu.memory_space<vmem>>
        %dma_start3A_65 = tpu.memref_slice %arg4[%mul3A_63] : memref<655360xf32, #tpu.memory_space<hbm>> -> memref<128xf32, #tpu.memory_space<hbm>>
        %dma_start3A_66 = tpu.memref_slice %arg4[%mul3A_63] : memref<655360xf32, #tpu.memory_space<hbm>> -> memref<128xf32, #tpu.memory_space<hbm>>
        %dma_start3A_67 = arith.constant 0 : i32
        %dma_start3A_68 = tpu.memref_slice %arg7[%dma_start3A_67] : memref<144xf32, #tpu.memory_space<vmem>> -> memref<128xf32, #tpu.memory_space<vmem>>
        tpu.enqueue_dma source(%dma_start3A_68 : memref<128xf32, #tpu.memory_space<vmem>>) target(%dma_start3A_66 : memref<128xf32, #tpu.memory_space<hbm>>) target_semaphore(%run_scoped3A : memref<!tpu.dma_semaphore, #tpu.memory_space<semaphore_mem>>)
        %dma_wait3A = arith.constant 0 : i32
        %dma_wait3A_69 = tpu.memref_slice %arg7[%dma_wait3A] : memref<144xf32, #tpu.memory_space<vmem>> -> memref<128xf32, #tpu.memory_space<vmem>>
        %dma_wait3A_70 = tpu.memref_slice %arg4[%mul3A_63] : memref<655360xf32, #tpu.memory_space<hbm>> -> memref<128xf32, #tpu.memory_space<hbm>>
        %dma_wait3A_71 = tpu.memref_slice %arg4[%mul3A_63] : memref<655360xf32, #tpu.memory_space<hbm>> -> memref<128xf32, #tpu.memory_space<hbm>>
        %dma_wait3A_72 = arith.constant 0 : i32
        %dma_wait3A_73 = tpu.memref_slice %arg7[%dma_wait3A_72] : memref<144xf32, #tpu.memory_space<vmem>> -> memref<128xf32, #tpu.memory_space<vmem>>
        tpu.wait_dma2 semaphore(%run_scoped3A : memref<!tpu.dma_semaphore, #tpu.memory_space<semaphore_mem>>) src(%dma_wait3A_73 : memref<128xf32, #tpu.memory_space<vmem>>) dst(%dma_wait3A_71 : memref<128xf32, #tpu.memory_space<hbm>>)
        tpu.yield
      }) : () -> ()
    }
    %while3A_15 = arith.constant 1 : i32
    scf.for %while3A_16 = %while3A_13 to %while3A_9 step %while3A_15  : i32 {
      %mul3A_17 = arith.constant 5120 : i32
      %mul3A_18 = arith.muli %while3A_16, %mul3A_17 : i32
      "tpu.region"() ({
        %run_scoped3A = tpu.sem_alloc : memref<!tpu.dma_semaphore, #tpu.memory_space<semaphore_mem>>
        %dma_start3A = tpu.memref_slice %arg2[%mul3A_18] : memref<26214400xf32, #tpu.memory_space<hbm>> -> memref<5120xf32, #tpu.memory_space<hbm>>
        %dma_start3A_64 = tpu.memref_slice %arg2[%mul3A_18] : memref<26214400xf32, #tpu.memory_space<hbm>> -> memref<5120xf32, #tpu.memory_space<hbm>>
        tpu.enqueue_dma source(%dma_start3A_64 : memref<5120xf32, #tpu.memory_space<hbm>>) target(%arg5 : memref<5120xf32, #tpu.memory_space<vmem>>) target_semaphore(%run_scoped3A : memref<!tpu.dma_semaphore, #tpu.memory_space<semaphore_mem>>)
        %dma_wait3A = tpu.memref_slice %arg2[%mul3A_18] : memref<26214400xf32, #tpu.memory_space<hbm>> -> memref<5120xf32, #tpu.memory_space<hbm>>
        %dma_wait3A_65 = tpu.memref_slice %arg2[%mul3A_18] : memref<26214400xf32, #tpu.memory_space<hbm>> -> memref<5120xf32, #tpu.memory_space<hbm>>
        tpu.wait_dma2 semaphore(%run_scoped3A : memref<!tpu.dma_semaphore, #tpu.memory_space<semaphore_mem>>) src(%dma_wait3A_65 : memref<5120xf32, #tpu.memory_space<hbm>>) dst(%arg5 : memref<5120xf32, #tpu.memory_space<vmem>>)
        tpu.yield
      }) : () -> ()
      %swap3A = arith.constant 0 : index
      %swap3A_19 = tpu.vector_load %arg7[%swap3A] {strides = array<i32>} : memref<144xf32, #tpu.memory_space<vmem>>, vector<16xf32>,
      tpu.vector_store %arg7[%swap3A], %broadcast_in_dim3A_5 {strides = array<i32>} : memref<144xf32, #tpu.memory_space<vmem>>, vector<16xf32>,
      %swap3A_20 = arith.constant 0 : index
      %swap3A_21 = tpu.vector_load %arg6[%swap3A_20] {strides = array<i32>} : memref<144xi32, #tpu.memory_space<vmem>>, vector<16xi32>,
      tpu.vector_store %arg6[%swap3A_20], %broadcast_in_dim3A_7 {strides = array<i32>} : memref<144xi32, #tpu.memory_space<vmem>>, vector<16xi32>,
      %swap3A_22 = arith.constant 16 : index
      %swap3A_23 = tpu.vector_load %arg7[%swap3A_22] {strides = array<i32>} : memref<144xf32, #tpu.memory_space<vmem>>, vector<16xf32>,
      tpu.vector_store %arg7[%swap3A_22], %broadcast_in_dim3A_5 {strides = array<i32>} : memref<144xf32, #tpu.memory_space<vmem>>, vector<16xf32>,
      %swap3A_24 = arith.constant 16 : index
      %swap3A_25 = tpu.vector_load %arg6[%swap3A_24] {strides = array<i32>} : memref<144xi32, #tpu.memory_space<vmem>>, vector<16xi32>,
      tpu.vector_store %arg6[%swap3A_24], %broadcast_in_dim3A_7 {strides = array<i32>} : memref<144xi32, #tpu.memory_space<vmem>>, vector<16xi32>,
      %swap3A_26 = arith.constant 32 : index
      %swap3A_27 = tpu.vector_load %arg7[%swap3A_26] {strides = array<i32>} : memref<144xf32, #tpu.memory_space<vmem>>, vector<16xf32>,
      tpu.vector_store %arg7[%swap3A_26], %broadcast_in_dim3A_5 {strides = array<i32>} : memref<144xf32, #tpu.memory_space<vmem>>, vector<16xf32>,
      %swap3A_28 = arith.constant 32 : index
      %swap3A_29 = tpu.vector_load %arg6[%swap3A_28] {strides = array<i32>} : memref<144xi32, #tpu.memory_space<vmem>>, vector<16xi32>,
      tpu.vector_store %arg6[%swap3A_28], %broadcast_in_dim3A_7 {strides = array<i32>} : memref<144xi32, #tpu.memory_space<vmem>>, vector<16xi32>,
      %swap3A_30 = arith.constant 48 : index
      %swap3A_31 = tpu.vector_load %arg7[%swap3A_30] {strides = array<i32>} : memref<144xf32, #tpu.memory_space<vmem>>, vector<16xf32>,
      tpu.vector_store %arg7[%swap3A_30], %broadcast_in_dim3A_5 {strides = array<i32>} : memref<144xf32, #tpu.memory_space<vmem>>, vector<16xf32>,
      %swap3A_32 = arith.constant 48 : index
      %swap3A_33 = tpu.vector_load %arg6[%swap3A_32] {strides = array<i32>} : memref<144xi32, #tpu.memory_space<vmem>>, vector<16xi32>,
      tpu.vector_store %arg6[%swap3A_32], %broadcast_in_dim3A_7 {strides = array<i32>} : memref<144xi32, #tpu.memory_space<vmem>>, vector<16xi32>,
      %swap3A_34 = arith.constant 64 : index
      %swap3A_35 = tpu.vector_load %arg7[%swap3A_34] {strides = array<i32>} : memref<144xf32, #tpu.memory_space<vmem>>, vector<16xf32>,
      tpu.vector_store %arg7[%swap3A_34], %broadcast_in_dim3A_5 {strides = array<i32>} : memref<144xf32, #tpu.memory_space<vmem>>, vector<16xf32>,
      %swap3A_36 = arith.constant 64 : index
      %swap3A_37 = tpu.vector_load %arg6[%swap3A_36] {strides = array<i32>} : memref<144xi32, #tpu.memory_space<vmem>>, vector<16xi32>,
      tpu.vector_store %arg6[%swap3A_36], %broadcast_in_dim3A_7 {strides = array<i32>} : memref<144xi32, #tpu.memory_space<vmem>>, vector<16xi32>,
      %swap3A_38 = arith.constant 80 : index
      %swap3A_39 = tpu.vector_load %arg7[%swap3A_38] {strides = array<i32>} : memref<144xf32, #tpu.memory_space<vmem>>, vector<16xf32>,
      tpu.vector_store %arg7[%swap3A_38], %broadcast_in_dim3A_5 {strides = array<i32>} : memref<144xf32, #tpu.memory_space<vmem>>, vector<16xf32>,
      %swap3A_40 = arith.constant 80 : index
      %swap3A_41 = tpu.vector_load %arg6[%swap3A_40] {strides = array<i32>} : memref<144xi32, #tpu.memory_space<vmem>>, vector<16xi32>,
      tpu.vector_store %arg6[%swap3A_40], %broadcast_in_dim3A_7 {strides = array<i32>} : memref<144xi32, #tpu.memory_space<vmem>>, vector<16xi32>,
      %swap3A_42 = arith.constant 96 : index
      %swap3A_43 = tpu.vector_load %arg7[%swap3A_42] {strides = array<i32>} : memref<144xf32, #tpu.memory_space<vmem>>, vector<16xf32>,
      tpu.vector_store %arg7[%swap3A_42], %broadcast_in_dim3A_5 {strides = array<i32>} : memref<144xf32, #tpu.memory_space<vmem>>, vector<16xf32>,
      %swap3A_44 = arith.constant 96 : index
      %swap3A_45 = tpu.vector_load %arg6[%swap3A_44] {strides = array<i32>} : memref<144xi32, #tpu.memory_space<vmem>>, vector<16xi32>,
      tpu.vector_store %arg6[%swap3A_44], %broadcast_in_dim3A_7 {strides = array<i32>} : memref<144xi32, #tpu.memory_space<vmem>>, vector<16xi32>,
      %swap3A_46 = arith.constant 112 : index
      %swap3A_47 = tpu.vector_load %arg7[%swap3A_46] {strides = array<i32>} : memref<144xf32, #tpu.memory_space<vmem>>, vector<16xf32>,
      tpu.vector_store %arg7[%swap3A_46], %broadcast_in_dim3A_5 {strides = array<i32>} : memref<144xf32, #tpu.memory_space<vmem>>, vector<16xf32>,
      %swap3A_48 = arith.constant 112 : index
      %swap3A_49 = tpu.vector_load %arg6[%swap3A_48] {strides = array<i32>} : memref<144xi32, #tpu.memory_space<vmem>>, vector<16xi32>,
      tpu.vector_store %arg6[%swap3A_48], %broadcast_in_dim3A_7 {strides = array<i32>} : memref<144xi32, #tpu.memory_space<vmem>>, vector<16xi32>,
      %swap3A_50 = arith.constant 128 : index
      %swap3A_51 = tpu.vector_load %arg7[%swap3A_50] {strides = array<i32>} : memref<144xf32, #tpu.memory_space<vmem>>, vector<16xf32>,
      tpu.vector_store %arg7[%swap3A_50], %broadcast_in_dim3A_5 {strides = array<i32>} : memref<144xf32, #tpu.memory_space<vmem>>, vector<16xf32>,
      %swap3A_52 = arith.constant 128 : index
      %swap3A_53 = tpu.vector_load %arg6[%swap3A_52] {strides = array<i32>} : memref<144xi32, #tpu.memory_space<vmem>>, vector<16xi32>,
      tpu.vector_store %arg6[%swap3A_52], %broadcast_in_dim3A_7 {strides = array<i32>} : memref<144xi32, #tpu.memory_space<vmem>>, vector<16xi32>,
      %scan3A = arith.constant 0 : i32
      %scan3A_54 = arith.constant 0 : i32
      %scan3A_55 = arith.constant 320 : i32
      %scan3A_56 = arith.addi %scan3A_54, %scan3A_55 : i32
      %scan3A_57 = arith.constant 1 : i32
      %scan3A_58 = scf.for %scan3A_64 = %scan3A_54 to %scan3A_56 step %scan3A_57 iter_args(%scan3A_65 = %scan3A) -> (i32)  : i32 {
        %mul3A_66 = arith.constant 16 : i32
        %mul3A_67 = arith.muli %scan3A_64, %mul3A_66 : i32
        %get3A = arith.index_cast %mul3A_67 : i32 to index
        %get3A_68 = tpu.vector_load %arg5[%get3A] {strides = array<i32>} : memref<5120xf32, #tpu.memory_space<vmem>>, vector<16xf32>,
        %gt3A = arith.constant 5.000000e-01 : f32
        %gt3A_69 = vector.broadcast %gt3A : f32 to vector<16xf32>
        %gt3A_70 = arith.cmpf ogt, %get3A_68, %gt3A_69 : vector<16xf32>
        %jit3A = arith.constant 1 : i32
        %jit3A_71 = arith.constant 0 : i32
        %broadcast_in_dim3A_72 = vector.broadcast %jit3A : i32 to vector<16xi32>
        %broadcast_in_dim3A_73 = vector.broadcast %jit3A_71 : i32 to vector<16xi32>
        %select_n3A = arith.select %gt3A_70, %broadcast_in_dim3A_72, %broadcast_in_dim3A_73 : vector<16xi1>, vector<16xi32>
        %broadcast_in_dim3A_74 = arith.constant true
        %broadcast_in_dim3A_75 = vector.broadcast %broadcast_in_dim3A_74 : i1 to vector<16xi1>
        %masked_cumsum3A = tpu.scan <sum>, %select_n3A masked %broadcast_in_dim3A_75 : vector<16xi32>, vector<16xi1> -> vector<16xi32>
        %add3A_76 = vector.broadcast %scan3A_65 : i32 to vector<16xi32>
        %add3A_77 = arith.addi %add3A_76, %masked_cumsum3A : vector<16xi32>
        %sub3A = arith.constant 1 : i32
        %sub3A_78 = vector.broadcast %sub3A : i32 to vector<16xi32>
        %sub3A_79 = arith.subi %add3A_77, %sub3A_78 : vector<16xi32>
        %mul3A_80 = arith.constant 16 : i32
        %mul3A_81 = arith.muli %scan3A_64, %mul3A_80 : i32
        %add3A_82 = vector.broadcast %mul3A_81 : i32 to vector<16xi32>
        %add3A_83 = arith.addi %iota3A, %add3A_82 : vector<16xi32>
        tpu.vector_store_idx %arg6[%sub3A_79], %add3A_83 masked %gt3A_70 : memref<144xi32, #tpu.memory_space<vmem>>[vector<16xi32>], vector<16xi32>, vector<16xi1>
        tpu.vector_store_idx %arg7[%sub3A_79], %get3A_68 masked %gt3A_70 : memref<144xf32, #tpu.memory_space<vmem>>[vector<16xi32>], vector<16xf32>, vector<16xi1>
        %reduce_sum3A = arith.constant true
        %reduce_sum3A_84 = vector.broadcast %reduce_sum3A : i1 to vector<16xi1>
        %reduce_sum3A_85 = tpu.scan <sum>, %select_n3A masked %reduce_sum3A_84 : vector<16xi32>, vector<16xi1> -> vector<16xi32>
        %reduce_sum3A_86 = vector.extract %reduce_sum3A_85[15] : i32 from vector<16xi32>
        %add3A_87 = arith.addi %scan3A_65, %reduce_sum3A_86 : i32
        scf.yield %add3A_87 : i32
      }
      %scan3A_59 = arith.constant 320 : i32
      %mul3A_60 = arith.constant 128 : i32
      %mul3A_61 = arith.muli %while3A_16, %mul3A_60 : i32
      "tpu.region"() ({
        %run_scoped3A = tpu.sem_alloc : memref<!tpu.dma_semaphore, #tpu.memory_space<semaphore_mem>>
        %dma_start3A = arith.constant 0 : i32
        %dma_start3A_64 = tpu.memref_slice %arg6[%dma_start3A] : memref<144xi32, #tpu.memory_space<vmem>> -> memref<128xi32, #tpu.memory_space<vmem>>
        %dma_start3A_65 = tpu.memref_slice %arg3[%mul3A_61] : memref<655360xi32, #tpu.memory_space<hbm>> -> memref<128xi32, #tpu.memory_space<hbm>>
        %dma_start3A_66 = tpu.memref_slice %arg3[%mul3A_61] : memref<655360xi32, #tpu.memory_space<hbm>> -> memref<128xi32, #tpu.memory_space<hbm>>
        %dma_start3A_67 = arith.constant 0 : i32
        %dma_start3A_68 = tpu.memref_slice %arg6[%dma_start3A_67] : memref<144xi32, #tpu.memory_space<vmem>> -> memref<128xi32, #tpu.memory_space<vmem>>
        tpu.enqueue_dma source(%dma_start3A_68 : memref<128xi32, #tpu.memory_space<vmem>>) target(%dma_start3A_66 : memref<128xi32, #tpu.memory_space<hbm>>) target_semaphore(%run_scoped3A : memref<!tpu.dma_semaphore, #tpu.memory_space<semaphore_mem>>)
        %dma_wait3A = arith.constant 0 : i32
        %dma_wait3A_69 = tpu.memref_slice %arg6[%dma_wait3A] : memref<144xi32, #tpu.memory_space<vmem>> -> memref<128xi32, #tpu.memory_space<vmem>>
        %dma_wait3A_70 = tpu.memref_slice %arg3[%mul3A_61] : memref<655360xi32, #tpu.memory_space<hbm>> -> memref<128xi32, #tpu.memory_space<hbm>>
        %dma_wait3A_71 = tpu.memref_slice %arg3[%mul3A_61] : memref<655360xi32, #tpu.memory_space<hbm>> -> memref<128xi32, #tpu.memory_space<hbm>>
        %dma_wait3A_72 = arith.constant 0 : i32
        %dma_wait3A_73 = tpu.memref_slice %arg6[%dma_wait3A_72] : memref<144xi32, #tpu.memory_space<vmem>> -> memref<128xi32, #tpu.memory_space<vmem>>
        tpu.wait_dma2 semaphore(%run_scoped3A : memref<!tpu.dma_semaphore, #tpu.memory_space<semaphore_mem>>) src(%dma_wait3A_73 : memref<128xi32, #tpu.memory_space<vmem>>) dst(%dma_wait3A_71 : memref<128xi32, #tpu.memory_space<hbm>>)
        tpu.yield
      }) : () -> ()
      %mul3A_62 = arith.constant 128 : i32
      %mul3A_63 = arith.muli %while3A_16, %mul3A_62 : i32
      "tpu.region"() ({
        %run_scoped3A = tpu.sem_alloc : memref<!tpu.dma_semaphore, #tpu.memory_space<semaphore_mem>>
        %dma_start3A = arith.constant 0 : i32
        %dma_start3A_64 = tpu.memref_slice %arg7[%dma_start3A] : memref<144xf32, #tpu.memory_space<vmem>> -> memref<128xf32, #tpu.memory_space<vmem>>
        %dma_start3A_65 = tpu.memref_slice %arg4[%mul3A_63] : memref<655360xf32, #tpu.memory_space<hbm>> -> memref<128xf32, #tpu.memory_space<hbm>>
        %dma_start3A_66 = tpu.memref_slice %arg4[%mul3A_63] : memref<655360xf32, #tpu.memory_space<hbm>> -> memref<128xf32, #tpu.memory_space<hbm>>
        %dma_start3A_67 = arith.constant 0 : i32
        %dma_start3A_68 = tpu.memref_slice %arg7[%dma_start3A_67] : memref<144xf32, #tpu.memory_space<vmem>> -> memref<128xf32, #tpu.memory_space<vmem>>
        tpu.enqueue_dma source(%dma_start3A_68 : memref<128xf32, #tpu.memory_space<vmem>>) target(%dma_start3A_66 : memref<128xf32, #tpu.memory_space<hbm>>) target_semaphore(%run_scoped3A : memref<!tpu.dma_semaphore, #tpu.memory_space<semaphore_mem>>)
        %dma_wait3A = arith.constant 0 : i32
        %dma_wait3A_69 = tpu.memref_slice %arg7[%dma_wait3A] : memref<144xf32, #tpu.memory_space<vmem>> -> memref<128xf32, #tpu.memory_space<vmem>>
        %dma_wait3A_70 = tpu.memref_slice %arg4[%mul3A_63] : memref<655360xf32, #tpu.memory_space<hbm>> -> memref<128xf32, #tpu.memory_space<hbm>>
        %dma_wait3A_71 = tpu.memref_slice %arg4[%mul3A_63] : memref<655360xf32, #tpu.memory_space<hbm>> -> memref<128xf32, #tpu.memory_space<hbm>>
        %dma_wait3A_72 = arith.constant 0 : i32
        %dma_wait3A_73 = tpu.memref_slice %arg7[%dma_wait3A_72] : memref<144xf32, #tpu.memory_space<vmem>> -> memref<128xf32, #tpu.memory_space<vmem>>
        tpu.wait_dma2 semaphore(%run_scoped3A : memref<!tpu.dma_semaphore, #tpu.memory_space<semaphore_mem>>) src(%dma_wait3A_73 : memref<128xf32, #tpu.memory_space<vmem>>) dst(%dma_wait3A_71 : memref<128xf32, #tpu.memory_space<hbm>>)
        tpu.yield
      }) : () -> ()
    }
    return
  }
}

#map = affine_map<(d0, d1) -> (0)>
module attributes {stable_mosaic.version = 14 : i64} {
  func.func @_gather_kernel(%arg0: i32, %arg1: i32, %arg2: memref<327680xf32, #tpu.memory_space<hbm>>, %arg3: memref<655360xi32, #tpu.memory_space<hbm>>, %arg4: memref<41943040xf32, #tpu.memory_space<hbm>>, %arg5: memref<5120xf32, #tpu.memory_space<vmem>>, %arg6: memref<5120xf32, #tpu.memory_space<vmem>>, %arg7: memref<8192xi32, #tpu.memory_space<vmem>>, %arg8: memref<8192xf32, #tpu.memory_space<vmem>>, %arg9: memref<8192xf32, #tpu.memory_space<vmem>>) attributes {dimension_semantics = [#tpu.dimension_semantics<core_parallel>, #tpu.dimension_semantics<subcore_parallel>], iteration_bounds = array<i64: 2, 16>, scalar_prefetch = 0 : i64, scratch_operands = 5 : i64, tpu.core_type = #tpu.core_type<sc_vector_subcore>, window_params = [{transform_indices = #map}, {transform_indices = #map}, {transform_indices = #map}]} {
    %mul3A = arith.constant 2 : i32
    %mul3A_0 = arith.muli %arg1, %mul3A : i32
    %add3A = arith.addi %mul3A_0, %arg0 : i32
    %mul3A_1 = arith.constant 2 : i32
    %mul3A_2 = arith.muli %mul3A_1, %add3A : i32
    %mul3A_3 = arith.constant 5120 : i32
    %mul3A_4 = arith.muli %mul3A_2, %mul3A_3 : i32
    "tpu.region"() ({
      %run_scoped3A = tpu.sem_alloc : memref<!tpu.dma_semaphore, #tpu.memory_space<semaphore_mem>>
      %dma_start3A = tpu.memref_slice %arg2[%mul3A_4] : memref<327680xf32, #tpu.memory_space<hbm>> -> memref<5120xf32, #tpu.memory_space<hbm>>
      %dma_start3A_14 = tpu.memref_slice %arg2[%mul3A_4] : memref<327680xf32, #tpu.memory_space<hbm>> -> memref<5120xf32, #tpu.memory_space<hbm>>
      tpu.enqueue_dma source(%dma_start3A_14 : memref<5120xf32, #tpu.memory_space<hbm>>) target(%arg5 : memref<5120xf32, #tpu.memory_space<vmem>>) target_semaphore(%run_scoped3A : memref<!tpu.dma_semaphore, #tpu.memory_space<semaphore_mem>>)
      %dma_wait3A = tpu.memref_slice %arg2[%mul3A_4] : memref<327680xf32, #tpu.memory_space<hbm>> -> memref<5120xf32, #tpu.memory_space<hbm>>
      %dma_wait3A_15 = tpu.memref_slice %arg2[%mul3A_4] : memref<327680xf32, #tpu.memory_space<hbm>> -> memref<5120xf32, #tpu.memory_space<hbm>>
      tpu.wait_dma2 semaphore(%run_scoped3A : memref<!tpu.dma_semaphore, #tpu.memory_space<semaphore_mem>>) src(%dma_wait3A_15 : memref<5120xf32, #tpu.memory_space<hbm>>) dst(%arg5 : memref<5120xf32, #tpu.memory_space<vmem>>)
      tpu.yield
    }) : () -> ()
    %add3A_5 = arith.constant 1 : i32
    %add3A_6 = arith.addi %mul3A_2, %add3A_5 : i32
    %mul3A_7 = arith.constant 5120 : i32
    %mul3A_8 = arith.muli %add3A_6, %mul3A_7 : i32
    "tpu.region"() ({
      %run_scoped3A = tpu.sem_alloc : memref<!tpu.dma_semaphore, #tpu.memory_space<semaphore_mem>>
      %dma_start3A = tpu.memref_slice %arg2[%mul3A_8] : memref<327680xf32, #tpu.memory_space<hbm>> -> memref<5120xf32, #tpu.memory_space<hbm>>
      %dma_start3A_14 = tpu.memref_slice %arg2[%mul3A_8] : memref<327680xf32, #tpu.memory_space<hbm>> -> memref<5120xf32, #tpu.memory_space<hbm>>
      tpu.enqueue_dma source(%dma_start3A_14 : memref<5120xf32, #tpu.memory_space<hbm>>) target(%arg6 : memref<5120xf32, #tpu.memory_space<vmem>>) target_semaphore(%run_scoped3A : memref<!tpu.dma_semaphore, #tpu.memory_space<semaphore_mem>>)
      %dma_wait3A = tpu.memref_slice %arg2[%mul3A_8] : memref<327680xf32, #tpu.memory_space<hbm>> -> memref<5120xf32, #tpu.memory_space<hbm>>
      %dma_wait3A_15 = tpu.memref_slice %arg2[%mul3A_8] : memref<327680xf32, #tpu.memory_space<hbm>> -> memref<5120xf32, #tpu.memory_space<hbm>>
      tpu.wait_dma2 semaphore(%run_scoped3A : memref<!tpu.dma_semaphore, #tpu.memory_space<semaphore_mem>>) src(%dma_wait3A_15 : memref<5120xf32, #tpu.memory_space<hbm>>) dst(%arg6 : memref<5120xf32, #tpu.memory_space<vmem>>)
      tpu.yield
    }) : () -> ()
    %scan3A = arith.constant 0 : i32
    %scan3A_9 = arith.constant 0 : i32
    %scan3A_10 = arith.constant 80 : i32
    %scan3A_11 = arith.addi %scan3A_9, %scan3A_10 : i32
    %scan3A_12 = arith.constant 1 : i32
    scf.for %scan3A_14 = %scan3A_9 to %scan3A_11 step %scan3A_12  : i32 {
      %mul3A_15 = arith.constant 8192 : i32
      %mul3A_16 = arith.muli %scan3A_14, %mul3A_15 : i32
      "tpu.region"() ({
        %run_scoped3A = tpu.sem_alloc : memref<!tpu.dma_semaphore, #tpu.memory_space<semaphore_mem>>
        %dma_start3A = tpu.memref_slice %arg3[%mul3A_16] : memref<655360xi32, #tpu.memory_space<hbm>> -> memref<8192xi32, #tpu.memory_space<hbm>>
        %dma_start3A_31 = tpu.memref_slice %arg3[%mul3A_16] : memref<655360xi32, #tpu.memory_space<hbm>> -> memref<8192xi32, #tpu.memory_space<hbm>>
        tpu.enqueue_dma source(%dma_start3A_31 : memref<8192xi32, #tpu.memory_space<hbm>>) target(%arg7 : memref<8192xi32, #tpu.memory_space<vmem>>) target_semaphore(%run_scoped3A : memref<!tpu.dma_semaphore, #tpu.memory_space<semaphore_mem>>)
        %dma_wait3A = tpu.memref_slice %arg3[%mul3A_16] : memref<655360xi32, #tpu.memory_space<hbm>> -> memref<8192xi32, #tpu.memory_space<hbm>>
        %dma_wait3A_32 = tpu.memref_slice %arg3[%mul3A_16] : memref<655360xi32, #tpu.memory_space<hbm>> -> memref<8192xi32, #tpu.memory_space<hbm>>
        tpu.wait_dma2 semaphore(%run_scoped3A : memref<!tpu.dma_semaphore, #tpu.memory_space<semaphore_mem>>) src(%dma_wait3A_32 : memref<8192xi32, #tpu.memory_space<hbm>>) dst(%arg7 : memref<8192xi32, #tpu.memory_space<vmem>>)
        tpu.yield
      }) : () -> ()
      %scan3A_17 = arith.constant 0 : i32
      %scan3A_18 = arith.constant 0 : i32
      %scan3A_19 = arith.constant 512 : i32
      %scan3A_20 = arith.addi %scan3A_18, %scan3A_19 : i32
      %scan3A_21 = arith.constant 1 : i32
      scf.for %scan3A_31 = %scan3A_18 to %scan3A_20 step %scan3A_21  : i32 {
        %mul3A_32 = arith.constant 16 : i32
        %mul3A_33 = arith.muli %scan3A_31, %mul3A_32 : i32
        %get3A = arith.index_cast %mul3A_33 : i32 to index
        %get3A_34 = tpu.vector_load %arg7[%get3A] {strides = array<i32>} : memref<8192xi32, #tpu.memory_space<vmem>>, vector<16xi32>,
        %gather3A = tpu.vector_load_idx %arg5[%get3A_34] : memref<5120xf32, #tpu.memory_space<vmem>>[vector<16xi32>], vector<16xf32>,
        %mul3A_35 = arith.constant 16 : i32
        %mul3A_36 = arith.muli %scan3A_31, %mul3A_35 : i32
        %swap3A = arith.index_cast %mul3A_36 : i32 to index
        %swap3A_37 = tpu.vector_load %arg8[%swap3A] {strides = array<i32>} : memref<8192xf32, #tpu.memory_space<vmem>>, vector<16xf32>,
        tpu.vector_store %arg8[%swap3A], %gather3A {strides = array<i32>} : memref<8192xf32, #tpu.memory_space<vmem>>, vector<16xf32>,
        %gather3A_38 = tpu.vector_load_idx %arg6[%get3A_34] : memref<5120xf32, #tpu.memory_space<vmem>>[vector<16xi32>], vector<16xf32>,
        %mul3A_39 = arith.constant 16 : i32
        %mul3A_40 = arith.muli %scan3A_31, %mul3A_39 : i32
        %swap3A_41 = arith.index_cast %mul3A_40 : i32 to index
        %swap3A_42 = tpu.vector_load %arg9[%swap3A_41] {strides = array<i32>} : memref<8192xf32, #tpu.memory_space<vmem>>, vector<16xf32>,
        tpu.vector_store %arg9[%swap3A_41], %gather3A_38 {strides = array<i32>} : memref<8192xf32, #tpu.memory_space<vmem>>, vector<16xf32>,
      }
      %scan3A_22 = arith.constant 512 : i32
      %mul3A_23 = arith.constant 655360 : i32
      %mul3A_24 = arith.muli %mul3A_2, %mul3A_23 : i32
      %add3A_25 = arith.addi %mul3A_24, %mul3A_16 : i32
      "tpu.region"() ({
        %run_scoped3A = tpu.sem_alloc : memref<!tpu.dma_semaphore, #tpu.memory_space<semaphore_mem>>
        %dma_start3A = tpu.memref_slice %arg4[%add3A_25] : memref<41943040xf32, #tpu.memory_space<hbm>> -> memref<8192xf32, #tpu.memory_space<hbm>>
        %dma_start3A_31 = tpu.memref_slice %arg4[%add3A_25] : memref<41943040xf32, #tpu.memory_space<hbm>> -> memref<8192xf32, #tpu.memory_space<hbm>>
        tpu.enqueue_dma source(%arg8 : memref<8192xf32, #tpu.memory_space<vmem>>) target(%dma_start3A_31 : memref<8192xf32, #tpu.memory_space<hbm>>) target_semaphore(%run_scoped3A : memref<!tpu.dma_semaphore, #tpu.memory_space<semaphore_mem>>)
        %dma_wait3A = tpu.memref_slice %arg4[%add3A_25] : memref<41943040xf32, #tpu.memory_space<hbm>> -> memref<8192xf32, #tpu.memory_space<hbm>>
        %dma_wait3A_32 = tpu.memref_slice %arg4[%add3A_25] : memref<41943040xf32, #tpu.memory_space<hbm>> -> memref<8192xf32, #tpu.memory_space<hbm>>
        tpu.wait_dma2 semaphore(%run_scoped3A : memref<!tpu.dma_semaphore, #tpu.memory_space<semaphore_mem>>) src(%arg8 : memref<8192xf32, #tpu.memory_space<vmem>>) dst(%dma_wait3A_32 : memref<8192xf32, #tpu.memory_space<hbm>>)
        tpu.yield
      }) : () -> ()
      %add3A_26 = arith.constant 1 : i32
      %add3A_27 = arith.addi %mul3A_2, %add3A_26 : i32
      %mul3A_28 = arith.constant 655360 : i32
      %mul3A_29 = arith.muli %add3A_27, %mul3A_28 : i32
      %add3A_30 = arith.addi %mul3A_29, %mul3A_16 : i32
      "tpu.region"() ({
        %run_scoped3A = tpu.sem_alloc : memref<!tpu.dma_semaphore, #tpu.memory_space<semaphore_mem>>
        %dma_start3A = tpu.memref_slice %arg4[%add3A_30] : memref<41943040xf32, #tpu.memory_space<hbm>> -> memref<8192xf32, #tpu.memory_space<hbm>>
        %dma_start3A_31 = tpu.memref_slice %arg4[%add3A_30] : memref<41943040xf32, #tpu.memory_space<hbm>> -> memref<8192xf32, #tpu.memory_space<hbm>>
        tpu.enqueue_dma source(%arg9 : memref<8192xf32, #tpu.memory_space<vmem>>) target(%dma_start3A_31 : memref<8192xf32, #tpu.memory_space<hbm>>) target_semaphore(%run_scoped3A : memref<!tpu.dma_semaphore, #tpu.memory_space<semaphore_mem>>)
        %dma_wait3A = tpu.memref_slice %arg4[%add3A_30] : memref<41943040xf32, #tpu.memory_space<hbm>> -> memref<8192xf32, #tpu.memory_space<hbm>>
        %dma_wait3A_32 = tpu.memref_slice %arg4[%add3A_30] : memref<41943040xf32, #tpu.memory_space<hbm>> -> memref<8192xf32, #tpu.memory_space<hbm>>
        tpu.wait_dma2 semaphore(%run_scoped3A : memref<!tpu.dma_semaphore, #tpu.memory_space<semaphore_mem>>) src(%arg9 : memref<8192xf32, #tpu.memory_space<vmem>>) dst(%dma_wait3A_32 : memref<8192xf32, #tpu.memory_space<hbm>>)
        tpu.yield
      }) : () -> ()
    }
    %scan3A_13 = arith.constant 80 : i32
    return
  }
}

module attributes {stable_mosaic.version = 14 : i64} {
  func.func @_iou_body(%arg0: i32, %arg1: memref<160x4xf32, #tpu.memory_space<vmem>>, %arg2: memref<4x5120xf32, #tpu.memory_space<vmem>>, %arg3: memref<160x5120xf32, #tpu.memory_space<vmem>>) attributes {dimension_semantics = [#tpu.dimension_semantics<arbitrary>], iteration_bounds = array<i64: 32>, scalar_prefetch = 0 : i64, scratch_operands = 0 : i64, tpu.core_type = #tpu.core_type<tc>, window_params = [{transform_indices = @transform_0, window_bounds = array<i64: 160, 4>}, {pipeline_mode = #tpu.pipeline_mode<synchronous>, transform_indices = @transform_1, window_bounds = array<i64: 4, 5120>}, {transform_indices = @transform_2, window_bounds = array<i64: 160, 5120>}]} {
    %get3A = arith.constant 0 : index
    %get3A_0 = arith.constant 0 : index
    %get3A_1 = vector.load %arg1[%get3A, %get3A_0] : memref<160x4xf32, #tpu.memory_space<vmem>>, vector<160x4xf32>
    %get3A_2 = arith.constant 0 : index
    %get3A_3 = arith.constant 0 : index
    %get3A_4 = vector.load %arg2[%get3A_2, %get3A_3] : memref<4x5120xf32, #tpu.memory_space<vmem>>, vector<4x5120xf32>
    %slice3A = vector.extract_strided_slice %get3A_1 {offsets = [0, 0], sizes = [160, 1], strides = [1, 1]} : vector<160x4xf32> to vector<160x1xf32>
    %slice3A_5 = vector.extract_strided_slice %get3A_1 {offsets = [0, 1], sizes = [160, 1], strides = [1, 1]} : vector<160x4xf32> to vector<160x1xf32>
    %slice3A_6 = vector.extract_strided_slice %get3A_1 {offsets = [0, 2], sizes = [160, 1], strides = [1, 1]} : vector<160x4xf32> to vector<160x1xf32>
    %slice3A_7 = vector.extract_strided_slice %get3A_1 {offsets = [0, 3], sizes = [160, 1], strides = [1, 1]} : vector<160x4xf32> to vector<160x1xf32>
    %slice3A_8 = vector.extract_strided_slice %get3A_4 {offsets = [0, 0], sizes = [1, 5120], strides = [1, 1]} : vector<4x5120xf32> to vector<1x5120xf32>
    %slice3A_9 = vector.extract_strided_slice %get3A_4 {offsets = [1, 0], sizes = [1, 5120], strides = [1, 1]} : vector<4x5120xf32> to vector<1x5120xf32>
    %slice3A_10 = vector.extract_strided_slice %get3A_4 {offsets = [2, 0], sizes = [1, 5120], strides = [1, 1]} : vector<4x5120xf32> to vector<1x5120xf32>
    %slice3A_11 = vector.extract_strided_slice %get3A_4 {offsets = [3, 0], sizes = [1, 5120], strides = [1, 1]} : vector<4x5120xf32> to vector<1x5120xf32>
    %sub3A = arith.subf %slice3A_6, %slice3A : vector<160x1xf32>
    %sub3A_12 = arith.subf %slice3A_7, %slice3A_5 : vector<160x1xf32>
    %mul3A = arith.mulf %sub3A, %sub3A_12 : vector<160x1xf32>
    %sub3A_13 = arith.subf %slice3A_10, %slice3A_8 : vector<1x5120xf32>
    %sub3A_14 = arith.subf %slice3A_11, %slice3A_9 : vector<1x5120xf32>
    %mul3A_15 = arith.mulf %sub3A_13, %sub3A_14 : vector<1x5120xf32>
    %min3A = vector.broadcast %slice3A_6 : vector<160x1xf32> to vector<160x5120xf32>
    %min3A_16 = vector.broadcast %slice3A_10 : vector<1x5120xf32> to vector<160x5120xf32>
    %min3A_17 = arith.minimumf %min3A, %min3A_16 : vector<160x5120xf32>
    %max3A = vector.broadcast %slice3A : vector<160x1xf32> to vector<160x5120xf32>
    %max3A_18 = vector.broadcast %slice3A_8 : vector<1x5120xf32> to vector<160x5120xf32>
    %max3A_19 = arith.maximumf %max3A, %max3A_18 : vector<160x5120xf32>
    %sub3A_20 = arith.subf %min3A_17, %max3A_19 : vector<160x5120xf32>
    %max3A_21 = arith.constant 0.000000e+00 : f32
    %max3A_22 = vector.broadcast %max3A_21 : f32 to vector<160x5120xf32>
    %max3A_23 = arith.maximumf %sub3A_20, %max3A_22 : vector<160x5120xf32>
    %min3A_24 = vector.broadcast %slice3A_7 : vector<160x1xf32> to vector<160x5120xf32>
    %min3A_25 = vector.broadcast %slice3A_11 : vector<1x5120xf32> to vector<160x5120xf32>
    %min3A_26 = arith.minimumf %min3A_24, %min3A_25 : vector<160x5120xf32>
    %max3A_27 = vector.broadcast %slice3A_5 : vector<160x1xf32> to vector<160x5120xf32>
    %max3A_28 = vector.broadcast %slice3A_9 : vector<1x5120xf32> to vector<160x5120xf32>
    %max3A_29 = arith.maximumf %max3A_27, %max3A_28 : vector<160x5120xf32>
    %sub3A_30 = arith.subf %min3A_26, %max3A_29 : vector<160x5120xf32>
    %max3A_31 = arith.constant 0.000000e+00 : f32
    %max3A_32 = vector.broadcast %max3A_31 : f32 to vector<160x5120xf32>
    %max3A_33 = arith.maximumf %sub3A_30, %max3A_32 : vector<160x5120xf32>
    %mul3A_34 = arith.mulf %max3A_23, %max3A_33 : vector<160x5120xf32>
    %add3A = vector.broadcast %mul3A : vector<160x1xf32> to vector<160x5120xf32>
    %add3A_35 = vector.broadcast %mul3A_15 : vector<1x5120xf32> to vector<160x5120xf32>
    %add3A_36 = arith.addf %add3A, %add3A_35 : vector<160x5120xf32>
    %sub3A_37 = arith.subf %add3A_36, %mul3A_34 : vector<160x5120xf32>
    %add3A_38 = arith.constant 9.99999993E-9 : f32
    %add3A_39 = vector.broadcast %add3A_38 : f32 to vector<160x5120xf32>
    %add3A_40 = arith.addf %sub3A_37, %add3A_39 : vector<160x5120xf32>
    %div3A = arith.divf %mul3A_34, %add3A_40 : vector<160x5120xf32>
    %swap3A = arith.constant 0 : index
    %swap3A_41 = arith.constant 0 : index
    %swap3A_42 = vector.load %arg3[%swap3A, %swap3A_41] : memref<160x5120xf32, #tpu.memory_space<vmem>>, vector<160x5120xf32>
    tpu.vector_store %arg3[%swap3A, %swap3A_41], %div3A {strides = array<i32>} : memref<160x5120xf32, #tpu.memory_space<vmem>>, vector<160x5120xf32>,
    return
  }
  func.func @transform_0(%arg0: i32) -> (i32, i32) {
    %c0_i32 = arith.constant 0 : i32
    %c0_i32_0 = arith.constant 0 : i32
    return %arg0, %c0_i32 : i32, i32
  }
  func.func @transform_1(%arg0: i32) -> (i32, i32) {
    %c0_i32 = arith.constant 0 : i32
    %c0_i32_0 = arith.constant 0 : i32
    %c0_i32_1 = arith.constant 0 : i32
    return %c0_i32, %c0_i32_0 : i32, i32
  }
  func.func @transform_2(%arg0: i32) -> (i32, i32) {
    %c0_i32 = arith.constant 0 : i32
    %c0_i32_0 = arith.constant 0 : i32
    return %arg0, %c0_i32 : i32, i32
  }
}

module attributes {stable_mosaic.version = 14 : i64} {
  func.func @_pq_body(%arg0: i32, %arg1: memref<65x5120xf32, #tpu.memory_space<vmem>>, %arg2: memref<4x5120xf32, #tpu.memory_space<vmem>>, %arg3: memref<64x65xf32, #tpu.memory_space<vmem>>, %arg4: memref<64x65xf32, #tpu.memory_space<vmem>>, %arg5: memref<64x4xf32, #tpu.memory_space<vmem>>, %arg6: memref<64x1xf32, #tpu.memory_space<vmem>>, %arg7: memref<64x5120xf32, #tpu.memory_space<vmem>>, %arg8: memref<64x5120xf32, #tpu.memory_space<vmem>>) attributes {dimension_semantics = [#tpu.dimension_semantics<arbitrary>], iteration_bounds = array<i64: 1>, scalar_prefetch = 0 : i64, scratch_operands = 0 : i64, tpu.core_type = #tpu.core_type<tc>, window_params = [{pipeline_mode = #tpu.pipeline_mode<synchronous>, transform_indices = @transform_0, window_bounds = array<i64: 65, 5120>}, {pipeline_mode = #tpu.pipeline_mode<synchronous>, transform_indices = @transform_1, window_bounds = array<i64: 4, 5120>}, {pipeline_mode = #tpu.pipeline_mode<synchronous>, transform_indices = @transform_2, window_bounds = array<i64: 64, 65>}, {pipeline_mode = #tpu.pipeline_mode<synchronous>, transform_indices = @transform_3, window_bounds = array<i64: 64, 65>}, {pipeline_mode = #tpu.pipeline_mode<synchronous>, transform_indices = @transform_4, window_bounds = array<i64: 64, 4>}, {pipeline_mode = #tpu.pipeline_mode<synchronous>, transform_indices = @transform_5, window_bounds = array<i64: 64, 1>}, {pipeline_mode = #tpu.pipeline_mode<synchronous>, transform_indices = @transform_6, window_bounds = array<i64: 64, 5120>}, {pipeline_mode = #tpu.pipeline_mode<synchronous>, transform_indices = @transform_7, window_bounds = array<i64: 64, 5120>}]} {
    %get3A = arith.constant 0 : index
    %get3A_0 = arith.constant 0 : index
    %get3A_1 = vector.load %arg1[%get3A, %get3A_0] : memref<65x5120xf32, #tpu.memory_space<vmem>>, vector<65x5120xf32>
    %get3A_2 = arith.constant 0 : index
    %get3A_3 = arith.constant 0 : index
    %get3A_4 = vector.load %arg2[%get3A_2, %get3A_3] : memref<4x5120xf32, #tpu.memory_space<vmem>>, vector<4x5120xf32>
    %slice3A = vector.extract_strided_slice %get3A_4 {offsets = [0, 0], sizes = [1, 5120], strides = [1, 1]} : vector<4x5120xf32> to vector<1x5120xf32>
    %slice3A_5 = vector.extract_strided_slice %get3A_4 {offsets = [2, 0], sizes = [1, 5120], strides = [1, 1]} : vector<4x5120xf32> to vector<1x5120xf32>
    %add3A = arith.addf %slice3A, %slice3A_5 : vector<1x5120xf32>
    %mul3A = arith.constant 5.000000e-01 : f32
    %mul3A_6 = vector.broadcast %mul3A : f32 to vector<1x5120xf32>
    %mul3A_7 = arith.mulf %add3A, %mul3A_6 : vector<1x5120xf32>
    %slice3A_8 = vector.extract_strided_slice %get3A_4 {offsets = [1, 0], sizes = [1, 5120], strides = [1, 1]} : vector<4x5120xf32> to vector<1x5120xf32>
    %slice3A_9 = vector.extract_strided_slice %get3A_4 {offsets = [3, 0], sizes = [1, 5120], strides = [1, 1]} : vector<4x5120xf32> to vector<1x5120xf32>
    %add3A_10 = arith.addf %slice3A_8, %slice3A_9 : vector<1x5120xf32>
    %mul3A_11 = arith.constant 5.000000e-01 : f32
    %mul3A_12 = vector.broadcast %mul3A_11 : f32 to vector<1x5120xf32>
    %mul3A_13 = arith.mulf %add3A_10, %mul3A_12 : vector<1x5120xf32>
    %slice3A_14 = vector.extract_strided_slice %get3A_4 {offsets = [2, 0], sizes = [1, 5120], strides = [1, 1]} : vector<4x5120xf32> to vector<1x5120xf32>
    %slice3A_15 = vector.extract_strided_slice %get3A_4 {offsets = [0, 0], sizes = [1, 5120], strides = [1, 1]} : vector<4x5120xf32> to vector<1x5120xf32>
    %sub3A = arith.subf %slice3A_14, %slice3A_15 : vector<1x5120xf32>
    %slice3A_16 = vector.extract_strided_slice %get3A_4 {offsets = [3, 0], sizes = [1, 5120], strides = [1, 1]} : vector<4x5120xf32> to vector<1x5120xf32>
    %slice3A_17 = vector.extract_strided_slice %get3A_4 {offsets = [1, 0], sizes = [1, 5120], strides = [1, 1]} : vector<4x5120xf32> to vector<1x5120xf32>
    %sub3A_18 = arith.subf %slice3A_16, %slice3A_17 : vector<1x5120xf32>
    %concatenate3A = tpu.concatenate %mul3A_7, %mul3A_13, %sub3A, %sub3A_18 in 0 : vector<1x5120xf32>, vector<1x5120xf32>, vector<1x5120xf32>, vector<1x5120xf32> -> vector<4x5120xf32>
    %mul3A_19 = arith.constant 0.00446428591 : f32
    %mul3A_20 = vector.broadcast %mul3A_19 : f32 to vector<4x5120xf32>
    %mul3A_21 = arith.mulf %concatenate3A, %mul3A_20 : vector<4x5120xf32>
    %get3A_22 = arith.constant 0 : index
    %get3A_23 = arith.constant 0 : index
    %get3A_24 = vector.load %arg5[%get3A_22, %get3A_23] : memref<64x4xf32, #tpu.memory_space<vmem>>, vector<64x4xf32>
    %dot_general3A = arith.constant dense<0.000000e+00> : vector<64x5120xf32>
    %dot_general3A_25 = tpu.matmul %get3A_24, %mul3A_21, %dot_general3A {dimension_numbers = #tpu.dot_dimension_numbers<[1], [0], [0], [1], [0, 0, 1, 1], [], []>, precision = #tpu.contract_precision<fp32>, transpose_lhs_hint = false} : vector<64x4xf32>, vector<4x5120xf32>, vector<64x5120xf32> -> vector<64x5120xf32>
    %get3A_26 = arith.constant 0 : index
    %get3A_27 = arith.constant 0 : index
    %get3A_28 = vector.load %arg3[%get3A_26, %get3A_27] : memref<64x65xf32, #tpu.memory_space<vmem>>, vector<64x65xf32>
    %dot_general3A_29 = arith.constant dense<0.000000e+00> : vector<64x5120xf32>
    %dot_general3A_30 = tpu.matmul %get3A_28, %get3A_1, %dot_general3A_29 {dimension_numbers = #tpu.dot_dimension_numbers<[1], [0], [0], [1], [0, 0, 1, 1], [], []>, precision = #tpu.contract_precision<fp32>, transpose_lhs_hint = false} : vector<64x65xf32>, vector<65x5120xf32>, vector<64x5120xf32> -> vector<64x5120xf32>
    %add3A_31 = arith.addf %dot_general3A_30, %dot_general3A_25 : vector<64x5120xf32>
    %swap3A = arith.constant 0 : index
    %swap3A_32 = arith.constant 0 : index
    %swap3A_33 = vector.load %arg7[%swap3A, %swap3A_32] : memref<64x5120xf32, #tpu.memory_space<vmem>>, vector<64x5120xf32>
    tpu.vector_store %arg7[%swap3A, %swap3A_32], %add3A_31 {strides = array<i32>} : memref<64x5120xf32, #tpu.memory_space<vmem>>, vector<64x5120xf32>,
    %get3A_34 = arith.constant 0 : index
    %get3A_35 = arith.constant 0 : index
    %get3A_36 = vector.load %arg4[%get3A_34, %get3A_35] : memref<64x65xf32, #tpu.memory_space<vmem>>, vector<64x65xf32>
    %dot_general3A_37 = arith.constant dense<0.000000e+00> : vector<64x5120xf32>
    %dot_general3A_38 = tpu.matmul %get3A_36, %get3A_1, %dot_general3A_37 {dimension_numbers = #tpu.dot_dimension_numbers<[1], [0], [0], [1], [0, 0, 1, 1], [], []>, precision = #tpu.contract_precision<fp32>, transpose_lhs_hint = false} : vector<64x65xf32>, vector<65x5120xf32>, vector<64x5120xf32> -> vector<64x5120xf32>
    %sub3A_39 = arith.subf %dot_general3A_38, %dot_general3A_25 : vector<64x5120xf32>
    %get3A_40 = arith.constant 0 : index
    %get3A_41 = arith.constant 0 : index
    %get3A_42 = vector.load %arg6[%get3A_40, %get3A_41] : memref<64x1xf32, #tpu.memory_space<vmem>>, vector<64x1xf32>
    %add3A_43 = vector.broadcast %get3A_42 : vector<64x1xf32> to vector<64x5120xf32>
    %add3A_44 = arith.addf %sub3A_39, %add3A_43 : vector<64x5120xf32>
    %swap3A_45 = arith.constant 0 : index
    %swap3A_46 = arith.constant 0 : index
    %swap3A_47 = vector.load %arg8[%swap3A_45, %swap3A_46] : memref<64x5120xf32, #tpu.memory_space<vmem>>, vector<64x5120xf32>
    tpu.vector_store %arg8[%swap3A_45, %swap3A_46], %add3A_44 {strides = array<i32>} : memref<64x5120xf32, #tpu.memory_space<vmem>>, vector<64x5120xf32>,
    return
  }
  func.func @transform_0(%arg0: i32) -> (i32, i32) {
    %c0_i32 = arith.constant 0 : i32
    %c0_i32_0 = arith.constant 0 : i32
    %c0_i32_1 = arith.constant 0 : i32
    return %c0_i32, %c0_i32_0 : i32, i32
  }
  func.func @transform_1(%arg0: i32) -> (i32, i32) {
    %c0_i32 = arith.constant 0 : i32
    %c0_i32_0 = arith.constant 0 : i32
    %c0_i32_1 = arith.constant 0 : i32
    return %c0_i32, %c0_i32_0 : i32, i32
  }
  func.func @transform_2(%arg0: i32) -> (i32, i32) {
    %c0_i32 = arith.constant 0 : i32
    %c0_i32_0 = arith.constant 0 : i32
    %c0_i32_1 = arith.constant 0 : i32
    return %c0_i32, %c0_i32_0 : i32, i32
  }
  func.func @transform_3(%arg0: i32) -> (i32, i32) {
    %c0_i32 = arith.constant 0 : i32
    %c0_i32_0 = arith.constant 0 : i32
    %c0_i32_1 = arith.constant 0 : i32
    return %c0_i32, %c0_i32_0 : i32, i32
  }
  func.func @transform_4(%arg0: i32) -> (i32, i32) {
    %c0_i32 = arith.constant 0 : i32
    %c0_i32_0 = arith.constant 0 : i32
    %c0_i32_1 = arith.constant 0 : i32
    return %c0_i32, %c0_i32_0 : i32, i32
  }
  func.func @transform_5(%arg0: i32) -> (i32, i32) {
    %c0_i32 = arith.constant 0 : i32
    %c0_i32_0 = arith.constant 0 : i32
    %c0_i32_1 = arith.constant 0 : i32
    return %c0_i32, %c0_i32_0 : i32, i32
  }
  func.func @transform_6(%arg0: i32) -> (i32, i32) {
    %c0_i32 = arith.constant 0 : i32
    %c0_i32_0 = arith.constant 0 : i32
    %c0_i32_1 = arith.constant 0 : i32
    return %c0_i32, %c0_i32_0 : i32, i32
  }
  func.func @transform_7(%arg0: i32) -> (i32, i32) {
    %c0_i32 = arith.constant 0 : i32
    %c0_i32_0 = arith.constant 0 : i32
    %c0_i32_1 = arith.constant 0 : i32
    return %c0_i32, %c0_i32_0 : i32, i32
  }
}

module attributes {stable_mosaic.version = 14 : i64} {
  func.func @_pair_body(%arg0: i32, %arg1: memref<64x16384xf32, #tpu.memory_space<vmem>>, %arg2: memref<64x128xf32, #tpu.memory_space<vmem>>, %arg3: memref<1x16384xf32, #tpu.memory_space<vmem>>, %arg4: memref<65x128xf32, #tpu.memory_space<vmem>>, %arg5: memref<64x1xf32, #tpu.memory_space<vmem>>, %arg6: memref<64x64xf32, #tpu.memory_space<vmem>>, %arg7: memref<64x1xf32, #tpu.memory_space<vmem>>, %arg8: memref<65x64xf32, #tpu.memory_space<vmem>>, %arg9: memref<65x1xf32, #tpu.memory_space<vmem>>, %arg10: memref<65x128xf32, #tpu.memory_space<vmem>>) attributes {dimension_semantics = [#tpu.dimension_semantics<arbitrary>], iteration_bounds = array<i64: 41>, scalar_prefetch = 0 : i64, scratch_operands = 0 : i64, tpu.core_type = #tpu.core_type<tc>, window_params = [{transform_indices = @transform_0, window_bounds = array<i64: 64, 16384>}, {transform_indices = @transform_1, window_bounds = array<i64: 64, 128>}, {transform_indices = @transform_2, window_bounds = array<i64: 1, 16384>}, {transform_indices = @transform_3, window_bounds = array<i64: 65, 128>}, {pipeline_mode = #tpu.pipeline_mode<synchronous>, transform_indices = @transform_4, window_bounds = array<i64: 64, 1>}, {pipeline_mode = #tpu.pipeline_mode<synchronous>, transform_indices = @transform_5, window_bounds = array<i64: 64, 64>}, {pipeline_mode = #tpu.pipeline_mode<synchronous>, transform_indices = @transform_6, window_bounds = array<i64: 64, 1>}, {pipeline_mode = #tpu.pipeline_mode<synchronous>, transform_indices = @transform_7, window_bounds = array<i64: 65, 64>}, {pipeline_mode = #tpu.pipeline_mode<synchronous>, transform_indices = @transform_8, window_bounds = array<i64: 65, 1>}, {transform_indices = @transform_9, window_bounds = array<i64: 65, 128>}]} {
    %get3A = arith.constant 0 : index
    %get3A_0 = arith.constant 0 : index
    %get3A_1 = vector.load %arg1[%get3A, %get3A_0] : memref<64x16384xf32, #tpu.memory_space<vmem>>, vector<64x16384xf32>
    %get3A_2 = arith.constant 0 : index
    %get3A_3 = arith.constant 0 : index
    %get3A_4 = vector.load %arg2[%get3A_2, %get3A_3] : memref<64x128xf32, #tpu.memory_space<vmem>>, vector<64x128xf32>
    %get3A_5 = arith.constant 0 : index
    %get3A_6 = arith.constant 0 : index
    %get3A_7 = vector.load %arg3[%get3A_5, %get3A_6] : memref<1x16384xf32, #tpu.memory_space<vmem>>, vector<1x16384xf32>
    %tile3A = tpu.concatenate %get3A_4, %get3A_4, %get3A_4, %get3A_4, %get3A_4, %get3A_4, %get3A_4, %get3A_4, %get3A_4, %get3A_4, %get3A_4, %get3A_4, %get3A_4, %get3A_4, %get3A_4, %get3A_4, %get3A_4, %get3A_4, %get3A_4, %get3A_4, %get3A_4, %get3A_4, %get3A_4, %get3A_4, %get3A_4, %get3A_4, %get3A_4, %get3A_4, %get3A_4, %get3A_4, %get3A_4, %get3A_4, %get3A_4, %get3A_4, %get3A_4, %get3A_4, %get3A_4, %get3A_4, %get3A_4, %get3A_4, %get3A_4, %get3A_4, %get3A_4, %get3A_4, %get3A_4, %get3A_4, %get3A_4, %get3A_4, %get3A_4, %get3A_4, %get3A_4, %get3A_4, %get3A_4, %get3A_4, %get3A_4, %get3A_4, %get3A_4, %get3A_4, %get3A_4, %get3A_4, %get3A_4, %get3A_4, %get3A_4, %get3A_4, %get3A_4, %get3A_4, %get3A_4, %get3A_4, %get3A_4, %get3A_4, %get3A_4, %get3A_4, %get3A_4, %get3A_4, %get3A_4, %get3A_4, %get3A_4, %get3A_4, %get3A_4, %get3A_4, %get3A_4, %get3A_4, %get3A_4, %get3A_4, %get3A_4, %get3A_4, %get3A_4, %get3A_4, %get3A_4, %get3A_4, %get3A_4, %get3A_4, %get3A_4, %get3A_4, %get3A_4, %get3A_4, %get3A_4, %get3A_4, %get3A_4, %get3A_4, %get3A_4, %get3A_4, %get3A_4, %get3A_4, %get3A_4, %get3A_4, %get3A_4, %get3A_4, %get3A_4, %get3A_4, %get3A_4, %get3A_4, %get3A_4, %get3A_4, %get3A_4, %get3A_4, %get3A_4, %get3A_4, %get3A_4, %get3A_4, %get3A_4, %get3A_4, %get3A_4, %get3A_4, %get3A_4, %get3A_4, %get3A_4, %get3A_4 in 1 : vector<64x128xf32>, vector<64x128xf32>, vector<64x128xf32>, vector<64x128xf32>, vector<64x128xf32>, vector<64x128xf32>, vector<64x128xf32>, vector<64x128xf32>, vector<64x128xf32>, vector<64x128xf32>, vector<64x128xf32>, vector<64x128xf32>, vector<64x128xf32>, vector<64x128xf32>, vector<64x128xf32>, vector<64x128xf32>, vector<64x128xf32>, vector<64x128xf32>, vector<64x128xf32>, vector<64x128xf32>, vector<64x128xf32>, vector<64x128xf32>, vector<64x128xf32>, vector<64x128xf32>, vector<64x128xf32>, vector<64x128xf32>, vector<64x128xf32>, vector<64x128xf32>, vector<64x128xf32>, vector<64x128xf32>, vector<64x128xf32>, vector<64x128xf32>, vector<64x128xf32>, vector<64x128xf32>, vector<64x128xf32>, vector<64x128xf32>, vector<64x128xf32>, vector<64x128xf32>, vector<64x128xf32>, vector<64x128xf32>, vector<64x128xf32>, vector<64x128xf32>, vector<64x128xf32>, vector<64x128xf32>, vector<64x128xf32>, vector<64x128xf32>, vector<64x128xf32>, vector<64x128xf32>, vector<64x128xf32>, vector<64x128xf32>, vector<64x128xf32>, vector<64x128xf32>, vector<64x128xf32>, vector<64x128xf32>, vector<64x128xf32>, vector<64x128xf32>, vector<64x128xf32>, vector<64x128xf32>, vector<64x128xf32>, vector<64x128xf32>, vector<64x128xf32>, vector<64x128xf32>, vector<64x128xf32>, vector<64x128xf32>, vector<64x128xf32>, vector<64x128xf32>, vector<64x128xf32>, vector<64x128xf32>, vector<64x128xf32>, vector<64x128xf32>, vector<64x128xf32>, vector<64x128xf32>, vector<64x128xf32>, vector<64x128xf32>, vector<64x128xf32>, vector<64x128xf32>, vector<64x128xf32>, vector<64x128xf32>, vector<64x128xf32>, vector<64x128xf32>, vector<64x128xf32>, vector<64x128xf32>, vector<64x128xf32>, vector<64x128xf32>, vector<64x128xf32>, vector<64x128xf32>, vector<64x128xf32>, vector<64x128xf32>, vector<64x128xf32>, vector<64x128xf32>, vector<64x128xf32>, vector<64x128xf32>, vector<64x128xf32>, vector<64x128xf32>, vector<64x128xf32>, vector<64x128xf32>, vector<64x128xf32>, vector<64x128xf32>, vector<64x128xf32>, vector<64x128xf32>, vector<64x128xf32>, vector<64x128xf32>, vector<64x128xf32>, vector<64x128xf32>, vector<64x128xf32>, vector<64x128xf32>, vector<64x128xf32>, vector<64x128xf32>, vector<64x128xf32>, vector<64x128xf32>, vector<64x128xf32>, vector<64x128xf32>, vector<64x128xf32>, vector<64x128xf32>, vector<64x128xf32>, vector<64x128xf32>, vector<64x128xf32>, vector<64x128xf32>, vector<64x128xf32>, vector<64x128xf32>, vector<64x128xf32>, vector<64x128xf32>, vector<64x128xf32>, vector<64x128xf32>, vector<64x128xf32>, vector<64x128xf32>, vector<64x128xf32>, vector<64x128xf32> -> vector<64x16384xf32>
    %broadcast_in_dim3A = vector.shape_cast %get3A_7 : vector<1x16384xf32> to vector<1x16384xf32>
    %broadcast_in_dim3A_8 = vector.broadcast %broadcast_in_dim3A : vector<1x16384xf32> to vector<64x16384xf32>
    %add3A = arith.addf %get3A_1, %tile3A : vector<64x16384xf32>
    %get3A_9 = arith.constant 0 : index
    %get3A_10 = arith.constant 0 : index
    %get3A_11 = vector.load %arg5[%get3A_9, %get3A_10] : memref<64x1xf32, #tpu.memory_space<vmem>>, vector<64x1xf32>
    %mul3A = vector.broadcast %get3A_11 : vector<64x1xf32> to vector<64x16384xf32>
    %mul3A_12 = arith.mulf %broadcast_in_dim3A_8, %mul3A : vector<64x16384xf32>
    %add3A_13 = arith.addf %add3A, %mul3A_12 : vector<64x16384xf32>
    %max3A = arith.constant 0.000000e+00 : f32
    %max3A_14 = vector.broadcast %max3A : f32 to vector<64x16384xf32>
    %max3A_15 = arith.maximumf %add3A_13, %max3A_14 : vector<64x16384xf32>
    %get3A_16 = arith.constant 0 : index
    %get3A_17 = arith.constant 0 : index
    %get3A_18 = vector.load %arg6[%get3A_16, %get3A_17] : memref<64x64xf32, #tpu.memory_space<vmem>>, vector<64x64xf32>
    %dot_general3A = arith.constant dense<0.000000e+00> : vector<64x16384xf32>
    %dot_general3A_19 = tpu.matmul %get3A_18, %max3A_15, %dot_general3A {dimension_numbers = #tpu.dot_dimension_numbers<[1], [0], [0], [1], [0, 0, 1, 1], [], []>, precision = #tpu.contract_precision<fp32>, transpose_lhs_hint = false} : vector<64x64xf32>, vector<64x16384xf32>, vector<64x16384xf32> -> vector<64x16384xf32>
    %gt3A = arith.constant 5.000000e-01 : f32
    %gt3A_20 = vector.broadcast %gt3A : f32 to vector<64x16384xf32>
    %gt3A_21 = arith.cmpf ogt, %broadcast_in_dim3A_8, %gt3A_20 : vector<64x16384xf32>
    %jit3A = arith.constant 0xFF800000 : f32
    %broadcast_in_dim3A_22 = vector.broadcast %jit3A : f32 to vector<64x16384xf32>
    %select_n3A = arith.select %gt3A_21, %dot_general3A_19, %broadcast_in_dim3A_22 : vector<64x16384xi1>, vector<64x16384xf32>
    %slice3A = vector.extract_strided_slice %select_n3A {offsets = [0, 0], sizes = [64, 8192], strides = [1, 1]} : vector<64x16384xf32> to vector<64x8192xf32>
    %slice3A_23 = vector.extract_strided_slice %select_n3A {offsets = [0, 8192], sizes = [64, 8192], strides = [1, 1]} : vector<64x16384xf32> to vector<64x8192xf32>
    %max3A_24 = arith.maximumf %slice3A, %slice3A_23 : vector<64x8192xf32>
    %slice3A_25 = vector.extract_strided_slice %max3A_24 {offsets = [0, 0], sizes = [64, 4096], strides = [1, 1]} : vector<64x8192xf32> to vector<64x4096xf32>
    %slice3A_26 = vector.extract_strided_slice %max3A_24 {offsets = [0, 4096], sizes = [64, 4096], strides = [1, 1]} : vector<64x8192xf32> to vector<64x4096xf32>
    %max3A_27 = arith.maximumf %slice3A_25, %slice3A_26 : vector<64x4096xf32>
    %slice3A_28 = vector.extract_strided_slice %max3A_27 {offsets = [0, 0], sizes = [64, 2048], strides = [1, 1]} : vector<64x4096xf32> to vector<64x2048xf32>
    %slice3A_29 = vector.extract_strided_slice %max3A_27 {offsets = [0, 2048], sizes = [64, 2048], strides = [1, 1]} : vector<64x4096xf32> to vector<64x2048xf32>
    %max3A_30 = arith.maximumf %slice3A_28, %slice3A_29 : vector<64x2048xf32>
    %slice3A_31 = vector.extract_strided_slice %max3A_30 {offsets = [0, 0], sizes = [64, 1024], strides = [1, 1]} : vector<64x2048xf32> to vector<64x1024xf32>
    %slice3A_32 = vector.extract_strided_slice %max3A_30 {offsets = [0, 1024], sizes = [64, 1024], strides = [1, 1]} : vector<64x2048xf32> to vector<64x1024xf32>
    %max3A_33 = arith.maximumf %slice3A_31, %slice3A_32 : vector<64x1024xf32>
    %slice3A_34 = vector.extract_strided_slice %max3A_33 {offsets = [0, 0], sizes = [64, 512], strides = [1, 1]} : vector<64x1024xf32> to vector<64x512xf32>
    %slice3A_35 = vector.extract_strided_slice %max3A_33 {offsets = [0, 512], sizes = [64, 512], strides = [1, 1]} : vector<64x1024xf32> to vector<64x512xf32>
    %max3A_36 = arith.maximumf %slice3A_34, %slice3A_35 : vector<64x512xf32>
    %slice3A_37 = vector.extract_strided_slice %max3A_36 {offsets = [0, 0], sizes = [64, 256], strides = [1, 1]} : vector<64x512xf32> to vector<64x256xf32>
    %slice3A_38 = vector.extract_strided_slice %max3A_36 {offsets = [0, 256], sizes = [64, 256], strides = [1, 1]} : vector<64x512xf32> to vector<64x256xf32>
    %max3A_39 = arith.maximumf %slice3A_37, %slice3A_38 : vector<64x256xf32>
    %slice3A_40 = vector.extract_strided_slice %max3A_39 {offsets = [0, 0], sizes = [64, 128], strides = [1, 1]} : vector<64x256xf32> to vector<64x128xf32>
    %slice3A_41 = vector.extract_strided_slice %max3A_39 {offsets = [0, 128], sizes = [64, 128], strides = [1, 1]} : vector<64x256xf32> to vector<64x128xf32>
    %max3A_42 = arith.maximumf %slice3A_40, %slice3A_41 : vector<64x128xf32>
    %get3A_43 = arith.constant 0 : index
    %get3A_44 = arith.constant 0 : index
    %get3A_45 = vector.load %arg7[%get3A_43, %get3A_44] : memref<64x1xf32, #tpu.memory_space<vmem>>, vector<64x1xf32>
    %add3A_46 = vector.broadcast %get3A_45 : vector<64x1xf32> to vector<64x128xf32>
    %add3A_47 = arith.addf %max3A_42, %add3A_46 : vector<64x128xf32>
    %max3A_48 = arith.constant 0.000000e+00 : f32
    %max3A_49 = vector.broadcast %max3A_48 : f32 to vector<64x128xf32>
    %max3A_50 = arith.maximumf %add3A_47, %max3A_49 : vector<64x128xf32>
    %get3A_51 = arith.constant 0 : index
    %get3A_52 = arith.constant 0 : index
    %get3A_53 = vector.load %arg4[%get3A_51, %get3A_52] : memref<65x128xf32, #tpu.memory_space<vmem>>, vector<65x128xf32>
    %get3A_54 = arith.constant 0 : index
    %get3A_55 = arith.constant 0 : index
    %get3A_56 = vector.load %arg8[%get3A_54, %get3A_55] : memref<65x64xf32, #tpu.memory_space<vmem>>, vector<65x64xf32>
    %dot_general3A_57 = arith.constant dense<0.000000e+00> : vector<65x128xf32>
    %dot_general3A_58 = tpu.matmul %get3A_56, %max3A_50, %dot_general3A_57 {dimension_numbers = #tpu.dot_dimension_numbers<[1], [0], [0], [1], [0, 0, 1, 1], [], []>, precision = #tpu.contract_precision<fp32>, transpose_lhs_hint = false} : vector<65x64xf32>, vector<64x128xf32>, vector<65x128xf32> -> vector<65x128xf32>
    %add3A_59 = arith.addf %get3A_53, %dot_general3A_58 : vector<65x128xf32>
    %get3A_60 = arith.constant 0 : index
    %get3A_61 = arith.constant 0 : index
    %get3A_62 = vector.load %arg9[%get3A_60, %get3A_61] : memref<65x1xf32, #tpu.memory_space<vmem>>, vector<65x1xf32>
    %add3A_63 = vector.broadcast %get3A_62 : vector<65x1xf32> to vector<65x128xf32>
    %add3A_64 = arith.addf %add3A_59, %add3A_63 : vector<65x128xf32>
    %swap3A = arith.constant 0 : index
    %swap3A_65 = arith.constant 0 : index
    %swap3A_66 = vector.load %arg10[%swap3A, %swap3A_65] : memref<65x128xf32, #tpu.memory_space<vmem>>, vector<65x128xf32>
    tpu.vector_store %arg10[%swap3A, %swap3A_65], %add3A_64 {strides = array<i32>} : memref<65x128xf32, #tpu.memory_space<vmem>>, vector<65x128xf32>,
    return
  }
  func.func @transform_0(%arg0: i32) -> (i32, i32) {
    %jit3A = arith.constant 40 : i32
    %eq3A = arith.constant 0 : i32
    %eq3A_0 = arith.cmpi eq, %jit3A, %eq3A : i32
    %jit3A_1 = arith.constant 1 : i32
    %select_n3A = arith.select %eq3A_0, %jit3A_1, %jit3A : i32
    %rem3A = arith.remsi %arg0, %select_n3A : i32
    %ne3A = arith.constant 0 : i32
    %ne3A_2 = arith.cmpi ne, %rem3A, %ne3A : i32
    %lt3A = arith.constant 0 : i32
    %lt3A_3 = arith.cmpi slt, %rem3A, %lt3A : i32
    %lt3A_4 = arith.constant 0 : i32
    %lt3A_5 = arith.cmpi slt, %select_n3A, %lt3A_4 : i32
    %ne3A_6 = arith.xori %lt3A_3, %lt3A_5 : i1
    %and3A = arith.andi %ne3A_6, %ne3A_2 : i1
    %add3A = arith.addi %rem3A, %select_n3A : i32
    %select_n3A_7 = arith.select %and3A, %add3A, %rem3A : i32
    %c0_i32 = arith.constant 0 : i32
    %c0_i32_8 = arith.constant 0 : i32
    return %c0_i32, %select_n3A_7 : i32, i32
  }
  func.func @transform_1(%arg0: i32) -> (i32, i32) {
    %jit3A = arith.constant 40 : i32
    %eq3A = arith.constant 0 : i32
    %eq3A_0 = arith.cmpi eq, %jit3A, %eq3A : i32
    %jit3A_1 = arith.constant 1 : i32
    %select_n3A = arith.select %eq3A_0, %jit3A_1, %jit3A : i32
    %rem3A = arith.remsi %arg0, %select_n3A : i32
    %ne3A = arith.constant 0 : i32
    %ne3A_2 = arith.cmpi ne, %rem3A, %ne3A : i32
    %lt3A = arith.constant 0 : i32
    %lt3A_3 = arith.cmpi slt, %rem3A, %lt3A : i32
    %lt3A_4 = arith.constant 0 : i32
    %lt3A_5 = arith.cmpi slt, %select_n3A, %lt3A_4 : i32
    %ne3A_6 = arith.xori %lt3A_3, %lt3A_5 : i1
    %and3A = arith.andi %ne3A_6, %ne3A_2 : i1
    %add3A = arith.addi %rem3A, %select_n3A : i32
    %select_n3A_7 = arith.select %and3A, %add3A, %rem3A : i32
    %c0_i32 = arith.constant 0 : i32
    %c0_i32_8 = arith.constant 0 : i32
    return %c0_i32, %select_n3A_7 : i32, i32
  }
  func.func @transform_2(%arg0: i32) -> (i32, i32) {
    %jit3A = arith.constant 40 : i32
    %eq3A = arith.constant 0 : i32
    %eq3A_0 = arith.cmpi eq, %jit3A, %eq3A : i32
    %jit3A_1 = arith.constant 1 : i32
    %select_n3A = arith.select %eq3A_0, %jit3A_1, %jit3A : i32
    %rem3A = arith.remsi %arg0, %select_n3A : i32
    %ne3A = arith.constant 0 : i32
    %ne3A_2 = arith.cmpi ne, %rem3A, %ne3A : i32
    %lt3A = arith.constant 0 : i32
    %lt3A_3 = arith.cmpi slt, %rem3A, %lt3A : i32
    %lt3A_4 = arith.constant 0 : i32
    %lt3A_5 = arith.cmpi slt, %select_n3A, %lt3A_4 : i32
    %ne3A_6 = arith.xori %lt3A_3, %lt3A_5 : i1
    %and3A = arith.andi %ne3A_6, %ne3A_2 : i1
    %add3A = arith.addi %rem3A, %select_n3A : i32
    %select_n3A_7 = arith.select %and3A, %add3A, %rem3A : i32
    %c0_i32 = arith.constant 0 : i32
    %c0_i32_8 = arith.constant 0 : i32
    return %c0_i32, %select_n3A_7 : i32, i32
  }
  func.func @transform_3(%arg0: i32) -> (i32, i32) {
    %jit3A = arith.constant 40 : i32
    %eq3A = arith.constant 0 : i32
    %eq3A_0 = arith.cmpi eq, %jit3A, %eq3A : i32
    %jit3A_1 = arith.constant 1 : i32
    %select_n3A = arith.select %eq3A_0, %jit3A_1, %jit3A : i32
    %rem3A = arith.remsi %arg0, %select_n3A : i32
    %ne3A = arith.constant 0 : i32
    %ne3A_2 = arith.cmpi ne, %rem3A, %ne3A : i32
    %lt3A = arith.constant 0 : i32
    %lt3A_3 = arith.cmpi slt, %rem3A, %lt3A : i32
    %lt3A_4 = arith.constant 0 : i32
    %lt3A_5 = arith.cmpi slt, %select_n3A, %lt3A_4 : i32
    %ne3A_6 = arith.xori %lt3A_3, %lt3A_5 : i1
    %and3A = arith.andi %ne3A_6, %ne3A_2 : i1
    %add3A = arith.addi %rem3A, %select_n3A : i32
    %select_n3A_7 = arith.select %and3A, %add3A, %rem3A : i32
    %c0_i32 = arith.constant 0 : i32
    %c0_i32_8 = arith.constant 0 : i32
    return %c0_i32, %select_n3A_7 : i32, i32
  }
  func.func @transform_4(%arg0: i32) -> (i32, i32) {
    %c0_i32 = arith.constant 0 : i32
    %c0_i32_0 = arith.constant 0 : i32
    %c0_i32_1 = arith.constant 0 : i32
    return %c0_i32, %c0_i32_0 : i32, i32
  }
  func.func @transform_5(%arg0: i32) -> (i32, i32) {
    %c0_i32 = arith.constant 0 : i32
    %c0_i32_0 = arith.constant 0 : i32
    %c0_i32_1 = arith.constant 0 : i32
    return %c0_i32, %c0_i32_0 : i32, i32
  }
  func.func @transform_6(%arg0: i32) -> (i32, i32) {
    %c0_i32 = arith.constant 0 : i32
    %c0_i32_0 = arith.constant 0 : i32
    %c0_i32_1 = arith.constant 0 : i32
    return %c0_i32, %c0_i32_0 : i32, i32
  }
  func.func @transform_7(%arg0: i32) -> (i32, i32) {
    %c0_i32 = arith.constant 0 : i32
    %c0_i32_0 = arith.constant 0 : i32
    %c0_i32_1 = arith.constant 0 : i32
    return %c0_i32, %c0_i32_0 : i32, i32
  }
  func.func @transform_8(%arg0: i32) -> (i32, i32) {
    %c0_i32 = arith.constant 0 : i32
    %c0_i32_0 = arith.constant 0 : i32
    %c0_i32_1 = arith.constant 0 : i32
    return %c0_i32, %c0_i32_0 : i32, i32
  }
  func.func @transform_9(%arg0: i32) -> (i32, i32) {
    %jit3A = arith.constant 40 : i32
    %eq3A = arith.constant 0 : i32
    %eq3A_0 = arith.cmpi eq, %jit3A, %eq3A : i32
    %jit3A_1 = arith.constant 1 : i32
    %select_n3A = arith.select %eq3A_0, %jit3A_1, %jit3A : i32
    %rem3A = arith.remsi %arg0, %select_n3A : i32
    %ne3A = arith.constant 0 : i32
    %ne3A_2 = arith.cmpi ne, %rem3A, %ne3A : i32
    %lt3A = arith.constant 0 : i32
    %lt3A_3 = arith.cmpi slt, %rem3A, %lt3A : i32
    %lt3A_4 = arith.constant 0 : i32
    %lt3A_5 = arith.cmpi slt, %select_n3A, %lt3A_4 : i32
    %ne3A_6 = arith.xori %lt3A_3, %lt3A_5 : i1
    %and3A = arith.andi %ne3A_6, %ne3A_2 : i1
    %add3A = arith.addi %rem3A, %select_n3A : i32
    %select_n3A_7 = arith.select %and3A, %add3A, %rem3A : i32
    %c0_i32 = arith.constant 0 : i32
    %c0_i32_8 = arith.constant 0 : i32
    return %c0_i32, %select_n3A_7 : i32, i32
  }
}

module attributes {stable_mosaic.version = 14 : i64} {
  func.func @_head_body(%arg0: i32, %arg1: memref<65x5120xf32, #tpu.memory_space<vmem>>, %arg2: memref<64x65xf32, #tpu.memory_space<vmem>>, %arg3: memref<64x1xf32, #tpu.memory_space<vmem>>, %arg4: memref<1x64xf32, #tpu.memory_space<vmem>>, %arg5: memref<1x1xf32, #tpu.memory_space<vmem>>, %arg6: memref<1x5120xf32, #tpu.memory_space<vmem>>) attributes {dimension_semantics = [#tpu.dimension_semantics<arbitrary>], iteration_bounds = array<i64: 1>, scalar_prefetch = 0 : i64, scratch_operands = 0 : i64, tpu.core_type = #tpu.core_type<tc>, window_params = [{pipeline_mode = #tpu.pipeline_mode<synchronous>, transform_indices = @transform_0, window_bounds = array<i64: 65, 5120>}, {pipeline_mode = #tpu.pipeline_mode<synchronous>, transform_indices = @transform_1, window_bounds = array<i64: 64, 65>}, {pipeline_mode = #tpu.pipeline_mode<synchronous>, transform_indices = @transform_2, window_bounds = array<i64: 64, 1>}, {pipeline_mode = #tpu.pipeline_mode<synchronous>, transform_indices = @transform_3, window_bounds = array<i64: 1, 64>}, {pipeline_mode = #tpu.pipeline_mode<synchronous>, transform_indices = @transform_4, window_bounds = array<i64: 1, 1>}, {pipeline_mode = #tpu.pipeline_mode<synchronous>, transform_indices = @transform_5, window_bounds = array<i64: 1, 5120>}]} {
    %get3A = arith.constant 0 : index
    %get3A_0 = arith.constant 0 : index
    %get3A_1 = vector.load %arg2[%get3A, %get3A_0] : memref<64x65xf32, #tpu.memory_space<vmem>>, vector<64x65xf32>
    %get3A_2 = arith.constant 0 : index
    %get3A_3 = arith.constant 0 : index
    %get3A_4 = vector.load %arg1[%get3A_2, %get3A_3] : memref<65x5120xf32, #tpu.memory_space<vmem>>, vector<65x5120xf32>
    %dot_general3A = arith.constant dense<0.000000e+00> : vector<64x5120xf32>
    %dot_general3A_5 = tpu.matmul %get3A_1, %get3A_4, %dot_general3A {dimension_numbers = #tpu.dot_dimension_numbers<[1], [0], [0], [1], [0, 0, 1, 1], [], []>, precision = #tpu.contract_precision<fp32>, transpose_lhs_hint = false} : vector<64x65xf32>, vector<65x5120xf32>, vector<64x5120xf32> -> vector<64x5120xf32>
    %get3A_6 = arith.constant 0 : index
    %get3A_7 = arith.constant 0 : index
    %get3A_8 = vector.load %arg3[%get3A_6, %get3A_7] : memref<64x1xf32, #tpu.memory_space<vmem>>, vector<64x1xf32>
    %add3A = vector.broadcast %get3A_8 : vector<64x1xf32> to vector<64x5120xf32>
    %add3A_9 = arith.addf %dot_general3A_5, %add3A : vector<64x5120xf32>
    %max3A = arith.constant 0.000000e+00 : f32
    %max3A_10 = vector.broadcast %max3A : f32 to vector<64x5120xf32>
    %max3A_11 = arith.maximumf %add3A_9, %max3A_10 : vector<64x5120xf32>
    %get3A_12 = arith.constant 0 : index
    %get3A_13 = arith.constant 0 : index
    %get3A_14 = vector.load %arg4[%get3A_12, %get3A_13] : memref<1x64xf32, #tpu.memory_space<vmem>>, vector<1x64xf32>
    %dot_general3A_15 = arith.constant dense<0.000000e+00> : vector<1x5120xf32>
    %dot_general3A_16 = tpu.matmul %get3A_14, %max3A_11, %dot_general3A_15 {dimension_numbers = #tpu.dot_dimension_numbers<[1], [0], [0], [1], [0, 0, 1, 1], [], []>, precision = #tpu.contract_precision<fp32>, transpose_lhs_hint = false} : vector<1x64xf32>, vector<64x5120xf32>, vector<1x5120xf32> -> vector<1x5120xf32>
    %get3A_17 = arith.constant 0 : index
    %get3A_18 = arith.constant 0 : index
    %get3A_19 = vector.load %arg5[%get3A_17, %get3A_18] : memref<1x1xf32, #tpu.memory_space<vmem>>, vector<1x1xf32>
    %add3A_20 = vector.broadcast %get3A_19 : vector<1x1xf32> to vector<1x5120xf32>
    %add3A_21 = arith.addf %dot_general3A_16, %add3A_20 : vector<1x5120xf32>
    %swap3A = arith.constant 0 : index
    %swap3A_22 = arith.constant 0 : index
    %swap3A_23 = vector.load %arg6[%swap3A, %swap3A_22] : memref<1x5120xf32, #tpu.memory_space<vmem>>, vector<1x5120xf32>
    tpu.vector_store %arg6[%swap3A, %swap3A_22], %add3A_21 {strides = array<i32>} : memref<1x5120xf32, #tpu.memory_space<vmem>>, vector<1x5120xf32>,
    return
  }
  func.func @transform_0(%arg0: i32) -> (i32, i32) {
    %c0_i32 = arith.constant 0 : i32
    %c0_i32_0 = arith.constant 0 : i32
    %c0_i32_1 = arith.constant 0 : i32
    return %c0_i32, %c0_i32_0 : i32, i32
  }
  func.func @transform_1(%arg0: i32) -> (i32, i32) {
    %c0_i32 = arith.constant 0 : i32
    %c0_i32_0 = arith.constant 0 : i32
    %c0_i32_1 = arith.constant 0 : i32
    return %c0_i32, %c0_i32_0 : i32, i32
  }
  func.func @transform_2(%arg0: i32) -> (i32, i32) {
    %c0_i32 = arith.constant 0 : i32
    %c0_i32_0 = arith.constant 0 : i32
    %c0_i32_1 = arith.constant 0 : i32
    return %c0_i32, %c0_i32_0 : i32, i32
  }
  func.func @transform_3(%arg0: i32) -> (i32, i32) {
    %c0_i32 = arith.constant 0 : i32
    %c0_i32_0 = arith.constant 0 : i32
    %c0_i32_1 = arith.constant 0 : i32
    return %c0_i32, %c0_i32_0 : i32, i32
  }
  func.func @transform_4(%arg0: i32) -> (i32, i32) {
    %c0_i32 = arith.constant 0 : i32
    %c0_i32_0 = arith.constant 0 : i32
    %c0_i32_1 = arith.constant 0 : i32
    return %c0_i32, %c0_i32_0 : i32, i32
  }
  func.func @transform_5(%arg0: i32) -> (i32, i32) {
    %c0_i32 = arith.constant 0 : i32
    %c0_i32_0 = arith.constant 0 : i32
    %c0_i32_1 = arith.constant 0 : i32
    return %c0_i32, %c0_i32_0 : i32, i32
  }
}

</mosaic_0001>

<sc_bundles>
// kernel: kernel.11.cloned.1.call-start
scs
__scs_entry_jumppad:
0x0: {  	(pc) =	sbr.rel $0x88, $3  }
0x1: {  	(tag) =	ssettag $0x0;
	lr =	simm.s32 $0x1  }
0x2: {  	[smem:$0x3F8F] =	sst lr;
	_ =	strace $0xD0000000  }
0x3: {  	_ = 	snop  }
0x4: {  	_ = 	snop  }
0x5: {  	_ = 	snop  }
0x6: {  	_ = 	snop  }
0x7: {  	_ = 	snop  }
__scs_overlays_trampoline_lowered:
0x8: {  	[smem:$0x3F9E] =	sst s0  }
0x9: {  	[smem:$0x3F9F] =	sst s1  }
0xa: {  	[smem:$0x3FA0] =	sst s2  }
0xb: {  	[smem:$0x3FA1] =	sst s3  }
0xc: {  	[smem:$0x3FA2] =	sst s4  }
0xd: {  	[smem:$0x3FA3] =	sst s5  }
0xe: {  	[smem:$0x3FA4] =	sst s6  }
0xf: {  	[smem:$0x3FA5] =	sst s7  }
0x10: {  	[smem:$0x3FA6] =	sst s8  }
0x11: {  	[smem:$0x3FA7] =	sst s9;
	s0 =	simm.s32 @!p0 $0x0  }
0x12: {  	s1 =	sld [smem:$0x3F8D];
	s0 =	simm.s32 @p0 $0x1  }
0x13: {  	[smem:$0x3FA8] =	sst s0;
	s0 =	simm.s32 @!p1 $0x0  }
0x14: {  	s2 =	sld [smem:$0x3F8C];
	s0 =	simm.s32 @p1 $0x1  }
0x15: {  	[smem:$0x3FA9] =	sst s0;
	s0 =	simm.s32 @!p2 $0x0  }
0x16: {  	s3 =	sld [smem:$0x3FDB];
	s0 =	simm.s32 @p2 $0x1  }
0x17: {  	s4 =	simm.s32 $0x1BF5;
	[smem:$0x3FAB] =	sst s0  }
0x18: {  	s0 =	sld [smem:$0x3F8E];
	_ =	swait.ge [sflag:s4], $0x0  }
0x19: {  	s7 =	sld [smem:$0x3F8F]  }
0x1a: {  	s8 =	sadd.s32 $0xFFFFE003, lr  }
0x1b: {  	s9 =	sadd.s32 $0xFFFFFEF7, lr;
	s5 =	simm.s32 $0xFFFFFFFF;
	p2 =	slt.u32 s8, $0xFFFFF086  }
0x1c: {  	p1 =	slt.u32 s9, $0xF7A;
	s5 =	simm.s32 @!p2 $0x0  }
0x1d: {  	s5 =	simm.s32 @p1 $0x1;
	p0 =	seq.s32 s7, s2  }
0x1e: {  	s7 =	smul.u32 @!p0 $0xF7A, s2;
	p2 =	seq.s32 @!p0 s5, $0x0  }
0x1f: {  	s9 =	smul.u32 $0xF7A, s1;
	s8 =	simm.s32 @!p0 $0x1BF5;
	p2 =	por !p2, p0  }
0x20: {  	[sflag:s8] =	ssyncset.s32 @!p0 $0xFFFFF086;
	s6 =	sadd.s32 @!p0 s3, s7;
	s7 =	simm.s32 @!p0 $0x108  }
0x21: {  	s3 =	sadd.s32 s3, s9;
	s6 =	sadd.s32 @!p0 $0x88, s6;
	s7 =	simm.s32 @p2 $0x1082  }
0x22: {  	[simem:s7], [sflag:s8] =	dma.local @!p0 [hbm:s6], $0xF7A  }
0x23: {  	s9 =	sor.u32 $0xD0000000, s2;
	s6 =	simm.s32 $0x108;
	_ =	swait.ge @!p0 [sflag:s8], $0x0  }
0x24: {  	s3 =	sadd.s32 $0x88, s3;
	s6 =	simm.s32 @!p1 $0x1082;
	[sflag:s4] =	ssyncset.s32 $0xFFFFF086  }
0x25: {  	[simem:s6], [sflag:s4] =	dma.local [hbm:s3], $0xF7A  }
0x26: {  	[smem:$0x3F8F] =	sst s1;
	(tag) =	ssettag s2;
	_ =	strace s9  }
0x27: {  	s1 =	sld [smem:$0x3F9F]  }
0x28: {  	s2 =	sld [smem:$0x3FA0]  }
0x29: {  	s4 =	sld [smem:$0x3FA2]  }
0x2a: {  	p0 =	seq.s32 s5, $0x0;
	s5 =	sld [smem:$0x3FA3]  }
0x2b: {  	s6 =	sld [smem:$0x3FA4]  }
0x2c: {  	s7 =	sld [smem:$0x3FA5]  }
0x2d: {  	s3 =	simm.s32 $0x108;
	s8 =	sld [smem:$0x3FA6]  }
0x2e: {  	s3 =	simm.s32 @!p0 $0x1082;
	s9 =	sld [smem:$0x3FA7]  }
0x2f: {  	lr =	sadd.s32 s0, s3;
	s0 =	sld [smem:$0x3F9E]  }
0x30: {  	s3 =	sld [smem:$0x3FA1]  }
0x31: {  	[smem:$0x3FAA] =	sst s10  }
0x32: {  	s10 =	sld [smem:$0x3FA8];
	_ =	sdelay $0x3  }
0x33: {  	p0 =	seq.s32 s10, $0x1;
	s10 =	sld [smem:$0x3FAA];
	_ =	sdelay $0x3  }
0x34: {  	[smem:$0x3FAA] =	sst s10  }
0x35: {  	s10 =	sld [smem:$0x3FA9];
	_ =	sdelay $0x3  }
0x36: {  	p1 =	seq.s32 s10, $0x1;
	s10 =	sld [smem:$0x3FAA];
	_ =	sdelay $0x3  }
0x37: {  	[smem:$0x3FAA] =	sst s10  }
0x38: {  	s10 =	sld [smem:$0x3FAB]  }
0x39: {  	_ = 	snop;
	(pc) =	sbr.ind lr, $3  }
0x3a: {  	_ = 	snop  }
0x3b: {  	_ = 	snop  }
0x3c: {  	p2 =	seq.s32 s10, $0x1;
	s10 =	sld [smem:$0x3FAA]  }
0x3d: {  	_ =	shalt  }
0x3e: {  	_ =	shalt  }
0x3f: {  	_ =	shalt  }
0x40: {  	_ =	shalt  }
0x41: {  	_ =	shalt  }
0x42: {  	_ =	shalt  }
0x43: {  	_ =	shalt  }
0x44: {  	_ =	shalt  }
0x45: {  	_ =	shalt  }
0x46: {  	_ =	shalt  }
0x47: {  	_ =	shalt  }
0x48: {  	_ =	shalt  }
0x49: {  	_ =	shalt  }
0x4a: {  	_ =	shalt  }
0x4b: {  	_ =	shalt  }
0x4c: {  	_ =	shalt  }
0x4d: {  	_ =	shalt  }
0x4e: {  	_ =	shalt  }
0x4f: {  	_ =	shalt  }
0x50: {  	_ =	shalt  }
0x51: {  	_ =	shalt  }
0x52: {  	_ =	shalt  }
0x53: {  	_ =	shalt  }
0x54: {  	_ =	shalt  }
0x55: {  	_ =	shalt  }
0x56: {  	_ =	shalt  }
0x57: {  	_ =	shalt  }
0x58: {  	_ =	shalt  }
0x59: {  	_ =	shalt  }
0x5a: {  	_ =	shalt  }
0x5b: {  	_ =	shalt  }
0x5c: {  	_ =	shalt  }
0x5d: {  	_ =	shalt  }
0x5e: {  	_ =	shalt  }
0x5f: {  	_ =	shalt  }
0x60: {  	_ =	shalt  }
0x61: {  	_ =	shalt  }
0x62: {  	_ =	shalt  }
0x63: {  	_ =	shalt  }
0x64: {  	_ =	shalt  }
0x65: {  	_ =	shalt  }
0x66: {  	_ =	shalt  }
0x67: {  	_ =	shalt  }
0x68: {  	_ =	shalt  }
0x69: {  	_ =	shalt  }
0x6a: {  	_ =	shalt  }
0x6b: {  	_ =	shalt  }
0x6c: {  	_ =	shalt  }
0x6d: {  	_ =	shalt  }
0x6e: {  	_ =	shalt  }
0x6f: {  	_ =	shalt  }
0x70: {  	_ =	shalt  }
0x71: {  	_ =	shalt  }
0x72: {  	_ =	shalt  }
0x73: {  	_ =	shalt  }
0x74: {  	_ =	shalt  }
0x75: {  	_ =	shalt  }
0x76: {  	_ =	shalt  }
0x77: {  	_ =	shalt  }
0x78: {  	_ =	shalt  }
0x79: {  	_ =	shalt  }
0x7a: {  	_ =	shalt  }
0x7b: {  	_ =	shalt  }
0x7c: {  	_ =	shalt  }
0x7d: {  	_ =	shalt  }
0x7e: {  	_ =	shalt  }
0x7f: {  	_ =	shalt  }
0x80: {  	_ =	shalt  }
0x81: {  	_ =	shalt  }
0x82: {  	_ =	shalt  }
0x83: {  	_ =	shalt  }
0x84: {  	_ =	shalt  }
0x85: {  	_ =	shalt  }
0x86: {  	_ =	shalt  }
0x87: {  	_ =	shalt  }
.Lfunc_end0:
.L_simem_size_0:
called_computation.1_lowered:
.L_overlay_start_0:
0x88: {  	s2 =	sld [smem:$0x3FD9]  }
0x89: {  	s3 =	sld [smem:$0x3FFE];
	_ =	sdelay $0x1  }
0x8a: {  	s1 =	srdreg.scid  }
0x8b: {  	s0 =	sand.u32 $0x1, s1  }
0x8c: {  	s16 =	sshll.u32 s0, $0xA;
	s2 =	sadd.s32 s3, s2  }
0x8d: {  	s2 =	sadd.s32 s2, s16  }
0x8e: {  	[smem:$0x3FB6] =	sst s2  }
0x8f: {  	_ = 	snop  }
0x90: {  	(tm) =	ssettm $0x1  }
0x91: {  	s17 =	sld [smem:$0x3FFB];
	_ =	sdelay $0x3  }
0x92: {  	_ =	strace s17  }
0x93: {  	s2 =	sld [smem:$0x3FFC];
	_ =	sdelay $0x3  }
0x94: {  	_ =	strace s2  }
0x95: {  	s2 =	sld [smem:$0x3FFD];
	_ =	sdelay $0x3  }
0x96: {  	_ =	strace s2  }
0x97: {  	_ =	strace $0x8FFFFFFF  }
0x98: {  	s18 =	sld [smem:$0x3FDB];
	_ =	sdelay $0x1  }
0x99: {  	s19 =	simm.s32 $_scs_section_size  }
0x9a: {  	s4 =	simm.s32 $_size__tile_overlayer_lowered;
	s5 =	simm.s32 $_tile_overlayer_lowered  }
0x9b: {  	s22 =	simm.s32 $0x1BFF;
	s21 =	sshll.u32 s5, $0x1;
	s2 =	sadd.s32 s19, s18  }
0x9c: {  	s6 =	simm.s32 $0x0;
	s20 =	sshll.u32 s4, $0x1;
	s4 =	sadd.s32 s21, s2  }
0x9d: {  	[timem:s6], [sflag:s22] =	dma.local [hbm:s4], s20  }
0x9e: {  	_ =	swait.ge [sflag:s22], s20  }
0x9f: {  	s3 =	ssub.s32 $0x0, s20;
	[sflag:s22] =	ssyncset.done $0x0  }
0xa0: {  	[sflag:s22] =	ssyncadd.s32 s3;
	_ =	sdelay $0x1  }
0xa1: {  	s23 =	simm.s32 $0x1B8B  }
0xa2: {  	_ =	swait.ge [sflag:s23], $0x1  }
0xa3: {  	[sflag:s23] =	ssyncset.done $0x0  }
0xa4: {  	s25 =	simm.s32 $0x1B8E;
	s24 =	sld [smem:$0x3FFE];
	[sflag:s23] =	ssyncadd.s32 $0xFFFFFFFF  }
0xa5: {  	s26 =	simm.s32 $execute0_lowered;
	[smem:$0x3FD2] =	sst s25  }
0xa6: {  	s4 =	sshll.u32 s26, $0x1;
	_ =	strace $0x80000049;
	[dreg:$0x1] =	wrdreg $0xFFFFFFFF  }
0xa7: {  	s28 =	simm.s32 $_size_execute0_lowered;
	s2 =	sadd.s32 s2, s4;
	[dreg:$0x0] =	wrdreg $0x0  }
0xa8: {  	s4 =	sshll.u32 s28, $0x1;
	[dreg:$0x2] =	wrdreg s2  }
0xa9: {  	[dreg:$0x3] =	wrdreg s4  }
0xaa: {  	[dreg:$0x4] =	wrdreg $0xC0  }
0xab: {  	_ =	task [dreg:s6], $0x5FFFF  }
0xac: {  	[dreg:$0x1] =	wrdreg $0xFFFFFFFF  }
0xad: {  	[dreg:$0x0] =	wrdreg $0x60  }
0xae: {  	[dreg:$0x2] =	wrdreg s24  }
0xaf: {  	[dreg:$0x3] =	wrdreg $0x9  }
0xb0: {  	_ =	task.clear_ibuf [dreg:s6], $0x4FFFF;
	_ =	strace $0x90000049  }
0xb1: {  	s29 =	simm.s32 $0x9;
	_ =	strace $0x8000004B  }
0xb2: {  	_ =	swait.ge [sflag:s29], $0x1  }
0xb3: {  	[sflag:s29] =	ssyncadd.s32 $0xFFFFFFFF  }
0xb4: {  	_ =	strace $0x9000004B  }
0xb5: {  	_ =	sfence  }
0xb6: {  	s30 =	sld [smem:$0x0];
	_ =	sdelay $0x2  }
0xb7: {  	s31 =	sshll.u32 s1, $0xD;
	s1 =	sshrl.u32 s1, $0x2  }
0xb8: {  	s3 =	sand.u32 $0x4000, s31;
	s1 =	sadd.s32 s1, s30  }
0xb9: {  	s0 =	sor.u32 s3, s0;
	s1 =	sshll.u32 s1, $0x11  }
0xba: {  	s0 =	sor.u32 s1, s0  }
0xbb: {  	s0 =	sadd.s32 $0x8F2B, s0  }
0xbc: {  	[sflag:s0] =	ssyncadd.remote.s32 $0x1  }
0xbd: {  	_ =	sfence.sel $0xFFFF  }
0xbe: {  	[dreg:$0x0] =	wrdreg $0xFFFFFFFF;
	(pc) =	sbr.abs _section_cstart, $3  }
0xbf: {  	[dreg:$0x1] =	wrdreg $0xFFFFFFFF  }
0xc0: {  	_ =	task.clear_ibuf [dreg:s6], $0x2FFFF;
	_ =	strace $0x9FFFFFFF  }
0xc1: {  	(tm) =	ssettm $0x7FFFFFFF  }
tec
execute0_lowered:
.L_overlay_start_1:
0x0: {  	(tag) =	ssettag $0x1  }
0x1: {  	s6 =	rddreg [dreg:$0x0]  }
0x2: {  	s0 =	rddreg [dreg:$0x1]  }
0x3: {  	s2 =	simm.s32 $0x0;
	s3 =	srdreg.scid;
	s1 =	stileid.u32  }
0x4: {  	s9 =	simm.s32 $0x1;
	s10 =	simm.s32 $0x1400;
	s11 =	simm.s32 $0x1500  }
0x5: {  	s12 =	simm.s32 $0x0;
	s3 =	sand.u32 $0x1, s3;
	s4 =	sshll.u32 s1, $0x1  }
0x6: {  	[smem:$0x7FF] =	sst s2;
	s7 =	ssub.s32 $0x2, s3;
	s4 =	sor.u32 s3, s4  }
0x7: {  	s5 =	sadd.s32 $0x6C00, s6;
	s8 =	sshrl.u32 s7, $0x1;
	s4 =	smul.u32 $0xA0, s4  }
0x8: {  	_ =	strace $0x8000004A;
	s3 =	sadd.s32 $0x326C00, s6;
	s8 =	ssub.s32 s7, s8  }
0x9: {  	v0 =	vimm.f32 $0.0e+00;
	v1 =	vimm.s32 $0x0;
	v2 =	vlaneseq.u32;
	s6 =	sadd.s32 $0x1AC00, s6;
	s7 =	sadd.s32 $0xA0, s4;
	s8 =	smax.u32 s8, $0x1  }
.LBB2_1:
0xa: {  	s13 =	smov.u32 s4  }
.LBB2_2:
0xb: {  	s14 =	smul.u32 $0x1400, s13;
	_ =	sdelay $0x1  }
0xc: {  	s14 =	sshrl.u32 s14, $0x3  }
0xd: {  	s15 =	sadd.s32 s3, s14;
	s14 =	simm.s32 $0x0  }
0xe: {  	[tilespmem:s14], [sflag:$0x1] =	stream.linear.gather [hbm4b:s15+s14], $0x1400, $0x38;
	[tilespmem:$0x1600] =	vst v63  }
0xf: {  	_ =	swait.ge [sflag:s9], $0x1400  }
0x10: {  	[sflag:s9] =	ssyncset.done $0x0  }
0x11: {  	[sflag:s9] =	ssyncadd.s32 $0xFFFFEC00  }
0x12: {  	[tilespmem:$0x1500] =	vst v0  }
0x13: {  	[tilespmem:$0x1400] =	vst v1  }
0x14: {  	[tilespmem:$0x1510] =	vst v0  }
0x15: {  	[tilespmem:$0x1410] =	vst v1  }
0x16: {  	[tilespmem:$0x1520] =	vst v0  }
0x17: {  	[tilespmem:$0x1420] =	vst v1  }
0x18: {  	[tilespmem:$0x1530] =	vst v0  }
0x19: {  	[tilespmem:$0x1430] =	vst v1  }
0x1a: {  	[tilespmem:$0x1540] =	vst v0  }
0x1b: {  	[tilespmem:$0x1440] =	vst v1  }
0x1c: {  	[tilespmem:$0x1550] =	vst v0  }
0x1d: {  	[tilespmem:$0x1450] =	vst v1  }
0x1e: {  	[tilespmem:$0x1560] =	vst v0  }
0x1f: {  	[tilespmem:$0x1460] =	vst v1  }
0x20: {  	[tilespmem:$0x1570] =	vst v0  }
0x21: {  	[tilespmem:$0x1470] =	vst v1  }
0x22: {  	[tilespmem:$0x1580] =	vst v0  }
0x23: {  	[tilespmem:$0x1480] =	vst v1  }
0x24: {  	v3 =	vld [tilespmem:s14+$0x0];
	_ =	sdelay $0x4  }
0x25: {  	vm0 =	vgt.f32 v3, $5.000000000e-01  }
0x26: {  	v4 =	vsel vm0, $0x1, v1  }
0x27: {  	(xrf0) =	vadd.scan.msk.s32 $0xffff, v4;
	_ =	sdelay $0x2  }
0x28: {  	v4 =	vmov s14  }
0x29: {  	v4 =	vadd.s32 $0xFFFFFFFF, v4  }
0x2a: {  	v4 =	vbroadcast v4, $0x0  }
0x2b: {  	v5, _, _ =	vpop (xrf0)  }
0x2c: {  	v4 =	vadd.s32 v5, v4;
	(v2sf) =	vpush v5, $0xF;
	_ =	sdelay $0x3  }
0x2d: {  	v6 =	vor.u32 s14, v2  }
0x2e: {  	[tilespmem:v4+s10+$0x0] =	vst.idx.msk vm0, v6  }
0x2f: {  	s15 =	simm.s32 $0x10;
	[tilespmem:v4+s11+$0x0] =	vst.idx.msk vm0, v3  }
0x30: {  	s16 =	simm.s32 $0x20;
	s17 =	simm.s32 $0x10;
	v3 =	vld [tilespmem:s15+$0x0]  }
.LBB2_3:
0x31: {  	p0 =	sne.s32 s16, $0x13F0;
	_ =	sdelay $0x3  }
0x32: {  	vm0 =	vgt.f32 v3, $5.000000000e-01  }
0x33: {  	v4 =	vsel vm0, $0x1, v1  }
0x34: {  	(xrf0) =	vadd.scan.msk.s32 $0xffff, v4  }
0x35: {  	s18 =	spop (v2sf)  }
0x36: {  	s14 =	sadd.s32 s14, s18  }
0x37: {  	v4 =	vmov s14  }
0x38: {  	v4 =	vadd.s32 $0xFFFFFFFF, v4  }
0x39: {  	v4 =	vbroadcast v4, $0x0  }
0x3a: {  	v5, _, _ =	vpop (xrf0)  }
0x3b: {  	v4 =	vadd.s32 v5, v4;
	(v2sf) =	vpush v5, $0xF;
	_ =	sdelay $0x2  }
.Ltmp0:
0x3c: {  	(pc) =	sbr.rel @p0 .LBB2_3-.Ltmp0, $4  }
0x3d: {  	v5 =	vor.u32 s15, v2;
	s15 =	smov.u32 s16  }
0x3e: {  	[tilespmem:v4+s10+$0x0] =	vst.idx.msk vm0, v5  }
0x3f: {  	s17 =	sadd.s32 $0x10, s17;
	[tilespmem:v4+s11+$0x0] =	vst.idx.msk vm0, v3  }
0x40: {  	s16 =	sadd.s32 $0x10, s16;
	v3 =	vld [tilespmem:s17+$0x0]  }
0x41: {  	_ =	sdelay $0x3  }
0x42: {  	vm0 =	vgt.f32 v3, $5.000000000e-01  }
0x43: {  	v4 =	vsel vm0, $0x1, v1  }
0x44: {  	(xrf0) =	vadd.scan.msk.s32 $0xffff, v4;
	_ =	sdelay $0x5  }
0x45: {  	v4, _, _ =	vpop (xrf0)  }
0x46: {  	(v2sf) =	vpush v4, $0xF  }
0x47: {  	s16 =	spop (v2sf)  }
0x48: {  	s14 =	sadd.s32 s14, s16  }
0x49: {  	v5 =	vmov s14  }
0x4a: {  	v5 =	vadd.s32 $0xFFFFFFFF, v5  }
0x4b: {  	v5 =	vbroadcast v5, $0x0;
	_ =	sdelay $0x1  }
0x4c: {  	v4 =	vadd.s32 v4, v5;
	_ =	sdelay $0x3  }
0x4d: {  	v63 =	vor.u32 s15, v2  }
0x4e: {  	s30 =	sshll.u32 s13, $0x4;
	[tilespmem:v4+s10+$0x0] =	vst.idx.msk vm0, v63  }
0x4f: {  	s15 =	sadd.s32 s5, s30;
	[tilespmem:v4+s11+$0x0] =	vst.idx.msk vm0, v3  }
0x50: {  	[hbm4b:s15+s2] =	stream.linear.scatter [tilespmem:s10], [sflag:$0x1], $0x80, $0x38;
	[tilespmem:$0x1600] =	vst v63  }
0x51: {  	s31 =	spop (v2sf)  }
0x52: {  	s13 =	sadd.s32 $0x1, s13;
	_ =	swait.ge [sflag:s9], $0x80  }
0x53: {  	p0 =	slt.u32 s13, s7;
	[sflag:s9] =	ssyncset.done $0x0  }
.Ltmp1:
0x54: {  	s14 =	sadd.s32 s6, s30;
	[sflag:s9] =	ssyncadd.s32 $0xFFFFFF80;
	(pc) =	sbr.rel @p0 .LBB2_2-.Ltmp1, $4  }
0x55: {  	[hbm4b:s14+s2] =	stream.linear.scatter [tilespmem:s11], [sflag:$0x1], $0x80, $0x38;
	[tilespmem:$0x1600] =	vst v63  }
0x56: {  	_ =	swait.ge [sflag:s9], $0x80  }
0x57: {  	[sflag:s9] =	ssyncset.done $0x0  }
0x58: {  	[sflag:s9] =	ssyncadd.s32 $0xFFFFFF80  }
0x59: {  	s12 =	sadd.s32 $0x1, s12  }
0x5a: {  	p0 =	sne.s32 s12, s8  }
.Ltmp2:
0x5b: {  	_ = 	snop;
	(pc) =	sbr.rel @p0 .LBB2_1-.Ltmp2, $1  }
0x5c: {  	_ =	sdelay $0x3  }
0x5d: {  	_ =	sfence.sel $0x180000  }
0x5e: {  	[bflag:$0x0] =	sbarrier.arrive $0xFFFF  }
0x5f: {  	p0 =	sne.s32 s1, $0x0;
	_ =	strace $0x9000004A  }
0x60: {  	s0 =	sadd.s32 @!p0 $0x100000, s0;
	[bflag:$0x2] =	sbarrier.arrive $0xFFFF  }
0x61: {  	[sflag:s0] =	ssyncadd.tile.s32 @!p0 $0x1;
	_ =	shalt  }
.Lfunc_end2:
_tile_overlayer_lowered:
.L_overlay_start_2:
0x62: {  	(tag) =	ssettag $0x2  }
0x63: {  	s0 =	rddreg [dreg:$0x0];
	s2 =	stileid.u32  }
0x64: {  	s1 =	rddreg [dreg:$0x1];
	p0 =	sne.s32 s2, $0x0  }
0x65: {  	s3 =	rddreg [dreg:$0x2];
	[bflag:$0x3] =	sbarrier.arrive $0xFFFF;
	s2 =	simm.s32 @!p0 $0x1C01  }
0x66: {  	[timem:s3], [sflag:s2] =	dma.local @!p0 [hbm:s0], s1  }
0x67: {  	s0 =	simm.s32 @!p0 $0x1  }
0x68: {  	_ =	swait.ge @!p0 [sflag:s0], s1  }
0x69: {  	s1 =	ssub.s32 @!p0 $0x0, s1;
	[sflag:s0] =	ssyncset.done @!p0 $0x0  }
0x6a: {  	[sflag:s0] =	ssyncadd.s32 @!p0 s1  }
0x6b: {  	[bflag:$0x3] =	sbarrier.arrive $0xFFFF  }
0x6c: {  	_ =	shalt  }

// kernel: kernel.14.cloned.1.call-start
scs
__scs_entry_jumppad:
0x0: {  	(pc) =	sbr.rel $0x88, $3  }
0x1: {  	(tag) =	ssettag $0x0;
	lr =	simm.s32 $0x1  }
0x2: {  	[smem:$0x3F8F] =	sst lr;
	_ =	strace $0xD0000000  }
0x3: {  	_ = 	snop  }
0x4: {  	_ = 	snop  }
0x5: {  	_ = 	snop  }
0x6: {  	_ = 	snop  }
0x7: {  	_ = 	snop  }
__scs_overlays_trampoline_lowered:
0x8: {  	[smem:$0x3F9E] =	sst s0  }
0x9: {  	[smem:$0x3F9F] =	sst s1  }
0xa: {  	[smem:$0x3FA0] =	sst s2  }
0xb: {  	[smem:$0x3FA1] =	sst s3  }
0xc: {  	[smem:$0x3FA2] =	sst s4  }
0xd: {  	[smem:$0x3FA3] =	sst s5  }
0xe: {  	[smem:$0x3FA4] =	sst s6  }
0xf: {  	[smem:$0x3FA5] =	sst s7  }
0x10: {  	[smem:$0x3FA6] =	sst s8  }
0x11: {  	[smem:$0x3FA7] =	sst s9;
	s0 =	simm.s32 @!p0 $0x0  }
0x12: {  	s1 =	sld [smem:$0x3F8D];
	s0 =	simm.s32 @p0 $0x1  }
0x13: {  	[smem:$0x3FA8] =	sst s0;
	s0 =	simm.s32 @!p1 $0x0  }
0x14: {  	s2 =	sld [smem:$0x3F8C];
	s0 =	simm.s32 @p1 $0x1  }
0x15: {  	[smem:$0x3FA9] =	sst s0;
	s0 =	simm.s32 @!p2 $0x0  }
0x16: {  	s3 =	sld [smem:$0x3FDB];
	s0 =	simm.s32 @p2 $0x1  }
0x17: {  	s4 =	simm.s32 $0x1BF5;
	[smem:$0x3FAB] =	sst s0  }
0x18: {  	s0 =	sld [smem:$0x3F8E];
	_ =	swait.ge [sflag:s4], $0x0  }
0x19: {  	s7 =	sld [smem:$0x3F8F]  }
0x1a: {  	s8 =	sadd.s32 $0xFFFFE003, lr  }
0x1b: {  	s9 =	sadd.s32 $0xFFFFFEF7, lr;
	s5 =	simm.s32 $0xFFFFFFFF;
	p2 =	slt.u32 s8, $0xFFFFF086  }
0x1c: {  	p1 =	slt.u32 s9, $0xF7A;
	s5 =	simm.s32 @!p2 $0x0  }
0x1d: {  	s5 =	simm.s32 @p1 $0x1;
	p0 =	seq.s32 s7, s2  }
0x1e: {  	s7 =	smul.u32 @!p0 $0xF7A, s2;
	p2 =	seq.s32 @!p0 s5, $0x0  }
0x1f: {  	s9 =	smul.u32 $0xF7A, s1;
	s8 =	simm.s32 @!p0 $0x1BF5;
	p2 =	por !p2, p0  }
0x20: {  	[sflag:s8] =	ssyncset.s32 @!p0 $0xFFFFF086;
	s6 =	sadd.s32 @!p0 s3, s7;
	s7 =	simm.s32 @!p0 $0x108  }
0x21: {  	s3 =	sadd.s32 s3, s9;
	s6 =	sadd.s32 @!p0 $0x88, s6;
	s7 =	simm.s32 @p2 $0x1082  }
0x22: {  	[simem:s7], [sflag:s8] =	dma.local @!p0 [hbm:s6], $0xF7A  }
0x23: {  	s9 =	sor.u32 $0xD0000000, s2;
	s6 =	simm.s32 $0x108;
	_ =	swait.ge @!p0 [sflag:s8], $0x0  }
0x24: {  	s3 =	sadd.s32 $0x88, s3;
	s6 =	simm.s32 @!p1 $0x1082;
	[sflag:s4] =	ssyncset.s32 $0xFFFFF086  }
0x25: {  	[simem:s6], [sflag:s4] =	dma.local [hbm:s3], $0xF7A  }
0x26: {  	[smem:$0x3F8F] =	sst s1;
	(tag) =	ssettag s2;
	_ =	strace s9  }
0x27: {  	s1 =	sld [smem:$0x3F9F]  }
0x28: {  	s2 =	sld [smem:$0x3FA0]  }
0x29: {  	s4 =	sld [smem:$0x3FA2]  }
0x2a: {  	p0 =	seq.s32 s5, $0x0;
	s5 =	sld [smem:$0x3FA3]  }
0x2b: {  	s6 =	sld [smem:$0x3FA4]  }
0x2c: {  	s7 =	sld [smem:$0x3FA5]  }
0x2d: {  	s3 =	simm.s32 $0x108;
	s8 =	sld [smem:$0x3FA6]  }
0x2e: {  	s3 =	simm.s32 @!p0 $0x1082;
	s9 =	sld [smem:$0x3FA7]  }
0x2f: {  	lr =	sadd.s32 s0, s3;
	s0 =	sld [smem:$0x3F9E]  }
0x30: {  	s3 =	sld [smem:$0x3FA1]  }
0x31: {  	[smem:$0x3FAA] =	sst s10  }
0x32: {  	s10 =	sld [smem:$0x3FA8];
	_ =	sdelay $0x3  }
0x33: {  	p0 =	seq.s32 s10, $0x1;
	s10 =	sld [smem:$0x3FAA];
	_ =	sdelay $0x3  }
0x34: {  	[smem:$0x3FAA] =	sst s10  }
0x35: {  	s10 =	sld [smem:$0x3FA9];
	_ =	sdelay $0x3  }
0x36: {  	p1 =	seq.s32 s10, $0x1;
	s10 =	sld [smem:$0x3FAA];
	_ =	sdelay $0x3  }
0x37: {  	[smem:$0x3FAA] =	sst s10  }
0x38: {  	s10 =	sld [smem:$0x3FAB]  }
0x39: {  	_ = 	snop;
	(pc) =	sbr.ind lr, $3  }
0x3a: {  	_ = 	snop  }
0x3b: {  	_ = 	snop  }
0x3c: {  	p2 =	seq.s32 s10, $0x1;
	s10 =	sld [smem:$0x3FAA]  }
0x3d: {  	_ =	shalt  }
0x3e: {  	_ =	shalt  }
0x3f: {  	_ =	shalt  }
0x40: {  	_ =	shalt  }
0x41: {  	_ =	shalt  }
0x42: {  	_ =	shalt  }
0x43: {  	_ =	shalt  }
0x44: {  	_ =	shalt  }
0x45: {  	_ =	shalt  }
0x46: {  	_ =	shalt  }
0x47: {  	_ =	shalt  }
0x48: {  	_ =	shalt  }
0x49: {  	_ =	shalt  }
0x4a: {  	_ =	shalt  }
0x4b: {  	_ =	shalt  }
0x4c: {  	_ =	shalt  }
0x4d: {  	_ =	shalt  }
0x4e: {  	_ =	shalt  }
0x4f: {  	_ =	shalt  }
0x50: {  	_ =	shalt  }
0x51: {  	_ =	shalt  }
0x52: {  	_ =	shalt  }
0x53: {  	_ =	shalt  }
0x54: {  	_ =	shalt  }
0x55: {  	_ =	shalt  }
0x56: {  	_ =	shalt  }
0x57: {  	_ =	shalt  }
0x58: {  	_ =	shalt  }
0x59: {  	_ =	shalt  }
0x5a: {  	_ =	shalt  }
0x5b: {  	_ =	shalt  }
0x5c: {  	_ =	shalt  }
0x5d: {  	_ =	shalt  }
0x5e: {  	_ =	shalt  }
0x5f: {  	_ =	shalt  }
0x60: {  	_ =	shalt  }
0x61: {  	_ =	shalt  }
0x62: {  	_ =	shalt  }
0x63: {  	_ =	shalt  }
0x64: {  	_ =	shalt  }
0x65: {  	_ =	shalt  }
0x66: {  	_ =	shalt  }
0x67: {  	_ =	shalt  }
0x68: {  	_ =	shalt  }
0x69: {  	_ =	shalt  }
0x6a: {  	_ =	shalt  }
0x6b: {  	_ =	shalt  }
0x6c: {  	_ =	shalt  }
0x6d: {  	_ =	shalt  }
0x6e: {  	_ =	shalt  }
0x6f: {  	_ =	shalt  }
0x70: {  	_ =	shalt  }
0x71: {  	_ =	shalt  }
0x72: {  	_ =	shalt  }
0x73: {  	_ =	shalt  }
0x74: {  	_ =	shalt  }
0x75: {  	_ =	shalt  }
0x76: {  	_ =	shalt  }
0x77: {  	_ =	shalt  }
0x78: {  	_ =	shalt  }
0x79: {  	_ =	shalt  }
0x7a: {  	_ =	shalt  }
0x7b: {  	_ =	shalt  }
0x7c: {  	_ =	shalt  }
0x7d: {  	_ =	shalt  }
0x7e: {  	_ =	shalt  }
0x7f: {  	_ =	shalt  }
0x80: {  	_ =	shalt  }
0x81: {  	_ =	shalt  }
0x82: {  	_ =	shalt  }
0x83: {  	_ =	shalt  }
0x84: {  	_ =	shalt  }
0x85: {  	_ =	shalt  }
0x86: {  	_ =	shalt  }
0x87: {  	_ =	shalt  }
.Lfunc_end0:
.L_simem_size_0:
called_computation.2_lowered:
.L_overlay_start_0:
0x88: {  	s2 =	sld [smem:$0x3FD9]  }
0x89: {  	s3 =	sld [smem:$0x3FFE];
	_ =	sdelay $0x1  }
0x8a: {  	s1 =	srdreg.scid  }
0x8b: {  	s0 =	sand.u32 $0x1, s1  }
0x8c: {  	s16 =	sshll.u32 s0, $0xA;
	s2 =	sadd.s32 s3, s2  }
0x8d: {  	s2 =	sadd.s32 s2, s16  }
0x8e: {  	[smem:$0x3FB6] =	sst s2  }
0x8f: {  	_ = 	snop  }
0x90: {  	(tm) =	ssettm $0x1  }
0x91: {  	s17 =	sld [smem:$0x3FFB];
	_ =	sdelay $0x3  }
0x92: {  	_ =	strace s17  }
0x93: {  	s2 =	sld [smem:$0x3FFC];
	_ =	sdelay $0x3  }
0x94: {  	_ =	strace s2  }
0x95: {  	s2 =	sld [smem:$0x3FFD];
	_ =	sdelay $0x3  }
0x96: {  	_ =	strace s2  }
0x97: {  	_ =	strace $0x8FFFFFFF  }
0x98: {  	s18 =	sld [smem:$0x3FDB];
	_ =	sdelay $0x1  }
0x99: {  	s19 =	simm.s32 $_scs_section_size  }
0x9a: {  	s4 =	simm.s32 $_size__tile_overlayer_lowered;
	s5 =	simm.s32 $_tile_overlayer_lowered  }
0x9b: {  	s22 =	simm.s32 $0x1BFF;
	s21 =	sshll.u32 s5, $0x1;
	s2 =	sadd.s32 s19, s18  }
0x9c: {  	s6 =	simm.s32 $0x0;
	s20 =	sshll.u32 s4, $0x1;
	s4 =	sadd.s32 s21, s2  }
0x9d: {  	[timem:s6], [sflag:s22] =	dma.local [hbm:s4], s20  }
0x9e: {  	_ =	swait.ge [sflag:s22], s20  }
0x9f: {  	s3 =	ssub.s32 $0x0, s20;
	[sflag:s22] =	ssyncset.done $0x0  }
0xa0: {  	[sflag:s22] =	ssyncadd.s32 s3;
	_ =	sdelay $0x1  }
0xa1: {  	s23 =	simm.s32 $0x1B8B  }
0xa2: {  	_ =	swait.ge [sflag:s23], $0x1  }
0xa3: {  	[sflag:s23] =	ssyncset.done $0x0  }
0xa4: {  	s25 =	simm.s32 $0x1B8E;
	s24 =	sld [smem:$0x3FFE];
	[sflag:s23] =	ssyncadd.s32 $0xFFFFFFFF  }
0xa5: {  	s26 =	simm.s32 $execute0_lowered;
	[smem:$0x3FD2] =	sst s25  }
0xa6: {  	s4 =	sshll.u32 s26, $0x1;
	_ =	strace $0x8000004C;
	[dreg:$0x1] =	wrdreg $0xFFFFFFFF  }
0xa7: {  	s28 =	simm.s32 $_size_execute0_lowered;
	s2 =	sadd.s32 s2, s4;
	[dreg:$0x0] =	wrdreg $0x0  }
0xa8: {  	s4 =	sshll.u32 s28, $0x1;
	[dreg:$0x2] =	wrdreg s2  }
0xa9: {  	[dreg:$0x3] =	wrdreg s4  }
0xaa: {  	[dreg:$0x4] =	wrdreg $0xC0  }
0xab: {  	_ =	task [dreg:s6], $0x5FFFF  }
0xac: {  	[dreg:$0x1] =	wrdreg $0xFFFFFFFF  }
0xad: {  	[dreg:$0x0] =	wrdreg $0x60  }
0xae: {  	[dreg:$0x2] =	wrdreg s24  }
0xaf: {  	[dreg:$0x3] =	wrdreg $0x9  }
0xb0: {  	_ =	task.clear_ibuf [dreg:s6], $0x4FFFF;
	_ =	strace $0x9000004C  }
0xb1: {  	s29 =	simm.s32 $0x9;
	_ =	strace $0x8000004E  }
0xb2: {  	_ =	swait.ge [sflag:s29], $0x1  }
0xb3: {  	[sflag:s29] =	ssyncadd.s32 $0xFFFFFFFF  }
0xb4: {  	_ =	strace $0x9000004E  }
0xb5: {  	_ =	sfence  }
0xb6: {  	s30 =	sld [smem:$0x0];
	_ =	sdelay $0x2  }
0xb7: {  	s31 =	sshll.u32 s1, $0xD;
	s1 =	sshrl.u32 s1, $0x2  }
0xb8: {  	s3 =	sand.u32 $0x4000, s31;
	s1 =	sadd.s32 s1, s30  }
0xb9: {  	s0 =	sor.u32 s3, s0;
	s1 =	sshll.u32 s1, $0x11  }
0xba: {  	s0 =	sor.u32 s1, s0  }
0xbb: {  	s0 =	sadd.s32 $0x8F2B, s0  }
0xbc: {  	[sflag:s0] =	ssyncadd.remote.s32 $0x1  }
0xbd: {  	_ =	sfence.sel $0xFFFF  }
0xbe: {  	[dreg:$0x0] =	wrdreg $0xFFFFFFFF;
	(pc) =	sbr.abs _section_cstart, $3  }
0xbf: {  	[dreg:$0x1] =	wrdreg $0xFFFFFFFF  }
0xc0: {  	_ =	task.clear_ibuf [dreg:s6], $0x2FFFF;
	_ =	strace $0x9FFFFFFF  }
0xc1: {  	(tm) =	ssettm $0x7FFFFFFF  }
tec
execute0_lowered:
.L_overlay_start_1:
0x0: {  	(tag) =	ssettag $0x1  }
0x1: {  	s4 =	rddreg [dreg:$0x0]  }
0x2: {  	s0 =	rddreg [dreg:$0x1];
	s2 =	simm.s32 $0x0  }
0x3: {  	s3 =	srdreg.scid;
	s1 =	stileid.u32;
	s12 =	simm.s32 $0x2800  }
0x4: {  	s13 =	simm.s32 $0x4800;
	s14 =	simm.s32 $0x6800;
	s15 =	simm.s32 $0x0  }
0x5: {  	[smem:$0x7FF] =	sst s2;
	s5 =	sand.u32 $0x1, s3;
	s6 =	sshll.u32 s1, $0x1  }
0x6: {  	s7 =	sadd.s32 $0x44000, s4;
	s3 =	sadd.s32 $0x4E000, s4;
	s6 =	sor.u32 s5, s6  }
0x7: {  	s4 =	sadd.s32 $0x62000, s4;
	s5 =	ssub.s32 $0x2, s5;
	s8 =	smul.u32 $0x500, s6  }
0x8: {  	s9 =	sshllo.u32 s6, $0x1;
	s10 =	sshrl.u32 s5, $0x1;
	s6 =	smul.u32 $0x140000, s6  }
0x9: {  	_ =	strace $0x8000004D;
	s11 =	smul.u32 $0x280, s9;
	s10 =	ssub.s32 s5, s10  }
0xa: {  	s5 =	sadd.s32 s7, s8;
	s8 =	smul.u32 $0xA0000, s9;
	s9 =	smax.u32 s10, $0x1  }
0xb: {  	s10 =	simm.s32 $0x1;
	s7 =	sadd.s32 s7, s11;
	s11 =	simm.s32 $0x1400  }
.LBB2_1:
0xc: {  	[tilespmem:s2], [sflag:$0x1] =	stream.linear.gather [hbm4b:s5+s2], $0x1400, $0x38;
	[tilespmem:$0x8800] =	vst v63  }
0xd: {  	_ =	swait.ge [sflag:s10], $0x1400  }
0xe: {  	[sflag:s10] =	ssyncset.done $0x0  }
0xf: {  	[sflag:s10] =	ssyncadd.s32 $0xFFFFEC00  }
0x10: {  	[tilespmem:s11], [sflag:$0x1] =	stream.linear.gather [hbm4b:s7+s2], $0x1400, $0x38;
	[tilespmem:$0x8800] =	vst v63  }
0x11: {  	_ =	swait.ge [sflag:s10], $0x1400  }
0x12: {  	[sflag:s10] =	ssyncset.done $0x0  }
0x13: {  	s16 =	simm.s32 $0x0;
	[sflag:s10] =	ssyncadd.s32 $0xFFFFEC00  }
.LBB2_2:
0x14: {  	s17 =	sshll.u32 s16, $0xA  }
0x15: {  	s18 =	simm.s32 $0x0;
	s17 =	sadd.s32 s3, s17  }
0x16: {  	[tilespmem:s12], [sflag:$0x1] =	stream.linear.gather [hbm4b:s17+s18], $0x2000, $0x38;
	[tilespmem:$0x8800] =	vst v63  }
0x17: {  	_ =	swait.ge [sflag:s10], $0x2000  }
0x18: {  	[sflag:s10] =	ssyncset.done $0x0  }
0x19: {  	s17 =	simm.s32 $0x0;
	[sflag:s10] =	ssyncadd.s32 $0xFFFFE000  }
0x1a: {  	v0 =	vld [tilespmem:s17+$0x2800];
	_ =	sdelay $0x7  }
0x1b: {  	v1 =	vld.idx.msk [tilespmem:v0+s2+$0x0], $0xffff;
	_ =	sdelay $0x3  }
0x1c: {  	s19 =	simm.s32 $0x80;
	s18 =	simm.s32 $0x10  }
.LBB2_3:
0x1d: {  	p0 =	sne.s32 s19, $0x7FC0;
	v2 =	vld [tilespmem:s18+$0x2800];
	[tilespmem:s17+$0x4800] =	vst v1  }
0x1e: {  	v1 =	vld.idx.msk [tilespmem:v0+s11+$0x0], $0xffff;
	_ =	sdelay $0x3  }
0x1f: {  	v0 =	vmov v2;
	_ =	sdelay $0x1  }
0x20: {  	[tilespmem:s17+$0x6800] =	vst v1;
	s17 =	smov.u32 s18  }
0x21: {  	v1 =	vld.idx.msk [tilespmem:v2+s2+$0x0], $0xffff  }
.Ltmp0:
0x22: {  	(pc) =	sbr.rel @p0 .LBB2_3-.Ltmp0, $2  }
0x23: {  	_ =	sdelay $0x2  }
0x24: {  	s18 =	sshra.s32 s19, $0x2;
	s19 =	sadd.s32 $0x40, s19  }
0x25: {  	_ =	sdelay $0x1  }
0x26: {  	v2 =	vld [tilespmem:s18+$0x2800]  }
0x27: {  	[tilespmem:s17+$0x4800] =	vst v1  }
0x28: {  	v0 =	vld.idx.msk [tilespmem:v0+s11+$0x0], $0xffff;
	_ =	sdelay $0x4  }
0x29: {  	[tilespmem:s17+$0x6800] =	vst v0  }
0x2a: {  	v0 =	vld.idx.msk [tilespmem:v2+s2+$0x0], $0xffff;
	_ =	sdelay $0x4  }
0x2b: {  	[tilespmem:s18+$0x4800] =	vst v0  }
0x2c: {  	v0 =	vld.idx.msk [tilespmem:v2+s11+$0x0], $0xffff;
	_ =	sdelay $0x1  }
0x2d: {  	s30 =	sshll.u32 s16, $0xD  }
0x2e: {  	s19 =	sadd.s32 s6, s30  }
0x2f: {  	s19 =	sshrl.u32 s19, $0x3  }
0x30: {  	s31 =	sadd.s32 s4, s19;
	[tilespmem:s18+$0x6800] =	vst v0  }
0x31: {  	[hbm4b:s31+s2] =	stream.linear.scatter [tilespmem:s13], [sflag:$0x1], $0x2000, $0x38;
	[tilespmem:$0x8800] =	vst v63  }
0x32: {  	s16 =	sadd.s32 $0x1, s16;
	s17 =	sadd.s32 s8, s30;
	_ =	swait.ge [sflag:s10], $0x2000  }
0x33: {  	p0 =	sne.s32 s16, $0x50;
	s17 =	sshrl.u32 s17, $0x3;
	[sflag:s10] =	ssyncset.done $0x0  }
.Ltmp1:
0x34: {  	s17 =	sadd.s32 s4, s17;
	[sflag:s10] =	ssyncadd.s32 $0xFFFFE000;
	(pc) =	sbr.rel @p0 .LBB2_2-.Ltmp1, $4  }
0x35: {  	[hbm4b:s17+s2] =	stream.linear.scatter [tilespmem:s14], [sflag:$0x1], $0x2000, $0x38;
	[tilespmem:$0x8800] =	vst v63  }
0x36: {  	_ =	swait.ge [sflag:s10], $0x2000  }
0x37: {  	[sflag:s10] =	ssyncset.done $0x0  }
0x38: {  	[sflag:s10] =	ssyncadd.s32 $0xFFFFE000  }
0x39: {  	s15 =	sadd.s32 $0x1, s15  }
0x3a: {  	p0 =	sne.s32 s15, s9  }
.Ltmp2:
0x3b: {  	_ = 	snop;
	(pc) =	sbr.rel @p0 .LBB2_1-.Ltmp2, $1  }
0x3c: {  	_ =	sdelay $0x3  }
0x3d: {  	_ =	sfence.sel $0x180000  }
0x3e: {  	[bflag:$0x0] =	sbarrier.arrive $0xFFFF  }
0x3f: {  	p0 =	sne.s32 s1, $0x0;
	_ =	strace $0x9000004D  }
0x40: {  	s0 =	sadd.s32 @!p0 $0x100000, s0;
	[bflag:$0x2] =	sbarrier.arrive $0xFFFF  }
0x41: {  	[sflag:s0] =	ssyncadd.tile.s32 @!p0 $0x1;
	_ =	shalt  }
.Lfunc_end2:
_tile_overlayer_lowered:
.L_overlay_start_2:
0x42: {  	(tag) =	ssettag $0x2  }
0x43: {  	s0 =	rddreg [dreg:$0x0];
	s2 =	stileid.u32  }
0x44: {  	s1 =	rddreg [dreg:$0x1];
	p0 =	sne.s32 s2, $0x0  }
0x45: {  	s3 =	rddreg [dreg:$0x2];
	[bflag:$0x3] =	sbarrier.arrive $0xFFFF;
	s2 =	simm.s32 @!p0 $0x1C01  }
0x46: {  	[timem:s3], [sflag:s2] =	dma.local @!p0 [hbm:s0], s1  }
0x47: {  	s0 =	simm.s32 @!p0 $0x1  }
0x48: {  	_ =	swait.ge @!p0 [sflag:s0], s1  }
0x49: {  	s1 =	ssub.s32 @!p0 $0x0, s1;
	[sflag:s0] =	ssyncset.done @!p0 $0x0  }
0x4a: {  	[sflag:s0] =	ssyncadd.s32 @!p0 s1  }
0x4b: {  	[bflag:$0x3] =	sbarrier.arrive $0xFFFF  }
0x4c: {  	_ =	shalt  }

// kernel: kernel.17.cloned.1.call-start
scs
__scs_entry_jumppad:
0x0: {  	(pc) =	sbr.rel $0x88, $3  }
0x1: {  	(tag) =	ssettag $0x0;
	lr =	simm.s32 $0x1  }
0x2: {  	[smem:$0x3F8F] =	sst lr;
	_ =	strace $0xD0000000  }
0x3: {  	_ = 	snop  }
0x4: {  	_ = 	snop  }
0x5: {  	_ = 	snop  }
0x6: {  	_ = 	snop  }
0x7: {  	_ = 	snop  }
__scs_overlays_trampoline_lowered:
0x8: {  	[smem:$0x3F9E] =	sst s0  }
0x9: {  	[smem:$0x3F9F] =	sst s1  }
0xa: {  	[smem:$0x3FA0] =	sst s2  }
0xb: {  	[smem:$0x3FA1] =	sst s3  }
0xc: {  	[smem:$0x3FA2] =	sst s4  }
0xd: {  	[smem:$0x3FA3] =	sst s5  }
0xe: {  	[smem:$0x3FA4] =	sst s6  }
0xf: {  	[smem:$0x3FA5] =	sst s7  }
0x10: {  	[smem:$0x3FA6] =	sst s8  }
0x11: {  	[smem:$0x3FA7] =	sst s9;
	s0 =	simm.s32 @!p0 $0x0  }
0x12: {  	s1 =	sld [smem:$0x3F8D];
	s0 =	simm.s32 @p0 $0x1  }
0x13: {  	[smem:$0x3FA8] =	sst s0;
	s0 =	simm.s32 @!p1 $0x0  }
0x14: {  	s2 =	sld [smem:$0x3F8C];
	s0 =	simm.s32 @p1 $0x1  }
0x15: {  	[smem:$0x3FA9] =	sst s0;
	s0 =	simm.s32 @!p2 $0x0  }
0x16: {  	s3 =	sld [smem:$0x3FDB];
	s0 =	simm.s32 @p2 $0x1  }
0x17: {  	s4 =	simm.s32 $0x1BF5;
	[smem:$0x3FAB] =	sst s0  }
0x18: {  	s0 =	sld [smem:$0x3F8E];
	_ =	swait.ge [sflag:s4], $0x0  }
0x19: {  	s7 =	sld [smem:$0x3F8F]  }
0x1a: {  	s8 =	sadd.s32 $0xFFFFE003, lr  }
0x1b: {  	s9 =	sadd.s32 $0xFFFFFEF7, lr;
	s5 =	simm.s32 $0xFFFFFFFF;
	p2 =	slt.u32 s8, $0xFFFFF086  }
0x1c: {  	p1 =	slt.u32 s9, $0xF7A;
	s5 =	simm.s32 @!p2 $0x0  }
0x1d: {  	s5 =	simm.s32 @p1 $0x1;
	p0 =	seq.s32 s7, s2  }
0x1e: {  	s7 =	smul.u32 @!p0 $0xF7A, s2;
	p2 =	seq.s32 @!p0 s5, $0x0  }
0x1f: {  	s9 =	smul.u32 $0xF7A, s1;
	s8 =	simm.s32 @!p0 $0x1BF5;
	p2 =	por !p2, p0  }
0x20: {  	[sflag:s8] =	ssyncset.s32 @!p0 $0xFFFFF086;
	s6 =	sadd.s32 @!p0 s3, s7;
	s7 =	simm.s32 @!p0 $0x108  }
0x21: {  	s3 =	sadd.s32 s3, s9;
	s6 =	sadd.s32 @!p0 $0x88, s6;
	s7 =	simm.s32 @p2 $0x1082  }
0x22: {  	[simem:s7], [sflag:s8] =	dma.local @!p0 [hbm:s6], $0xF7A  }
0x23: {  	s9 =	sor.u32 $0xD0000000, s2;
	s6 =	simm.s32 $0x108;
	_ =	swait.ge @!p0 [sflag:s8], $0x0  }
0x24: {  	s3 =	sadd.s32 $0x88, s3;
	s6 =	simm.s32 @!p1 $0x1082;
	[sflag:s4] =	ssyncset.s32 $0xFFFFF086  }
0x25: {  	[simem:s6], [sflag:s4] =	dma.local [hbm:s3], $0xF7A  }
0x26: {  	[smem:$0x3F8F] =	sst s1;
	(tag) =	ssettag s2;
	_ =	strace s9  }
0x27: {  	s1 =	sld [smem:$0x3F9F]  }
0x28: {  	s2 =	sld [smem:$0x3FA0]  }
0x29: {  	s4 =	sld [smem:$0x3FA2]  }
0x2a: {  	p0 =	seq.s32 s5, $0x0;
	s5 =	sld [smem:$0x3FA3]  }
0x2b: {  	s6 =	sld [smem:$0x3FA4]  }
0x2c: {  	s7 =	sld [smem:$0x3FA5]  }
0x2d: {  	s3 =	simm.s32 $0x108;
	s8 =	sld [smem:$0x3FA6]  }
0x2e: {  	s3 =	simm.s32 @!p0 $0x1082;
	s9 =	sld [smem:$0x3FA7]  }
0x2f: {  	lr =	sadd.s32 s0, s3;
	s0 =	sld [smem:$0x3F9E]  }
0x30: {  	s3 =	sld [smem:$0x3FA1]  }
0x31: {  	[smem:$0x3FAA] =	sst s10  }
0x32: {  	s10 =	sld [smem:$0x3FA8];
	_ =	sdelay $0x3  }
0x33: {  	p0 =	seq.s32 s10, $0x1;
	s10 =	sld [smem:$0x3FAA];
	_ =	sdelay $0x3  }
0x34: {  	[smem:$0x3FAA] =	sst s10  }
0x35: {  	s10 =	sld [smem:$0x3FA9];
	_ =	sdelay $0x3  }
0x36: {  	p1 =	seq.s32 s10, $0x1;
	s10 =	sld [smem:$0x3FAA];
	_ =	sdelay $0x3  }
0x37: {  	[smem:$0x3FAA] =	sst s10  }
0x38: {  	s10 =	sld [smem:$0x3FAB]  }
0x39: {  	_ = 	snop;
	(pc) =	sbr.ind lr, $3  }
0x3a: {  	_ = 	snop  }
0x3b: {  	_ = 	snop  }
0x3c: {  	p2 =	seq.s32 s10, $0x1;
	s10 =	sld [smem:$0x3FAA]  }
0x3d: {  	_ =	shalt  }
0x3e: {  	_ =	shalt  }
0x3f: {  	_ =	shalt  }
0x40: {  	_ =	shalt  }
0x41: {  	_ =	shalt  }
0x42: {  	_ =	shalt  }
0x43: {  	_ =	shalt  }
0x44: {  	_ =	shalt  }
0x45: {  	_ =	shalt  }
0x46: {  	_ =	shalt  }
0x47: {  	_ =	shalt  }
0x48: {  	_ =	shalt  }
0x49: {  	_ =	shalt  }
0x4a: {  	_ =	shalt  }
0x4b: {  	_ =	shalt  }
0x4c: {  	_ =	shalt  }
0x4d: {  	_ =	shalt  }
0x4e: {  	_ =	shalt  }
0x4f: {  	_ =	shalt  }
0x50: {  	_ =	shalt  }
0x51: {  	_ =	shalt  }
0x52: {  	_ =	shalt  }
0x53: {  	_ =	shalt  }
0x54: {  	_ =	shalt  }
0x55: {  	_ =	shalt  }
0x56: {  	_ =	shalt  }
0x57: {  	_ =	shalt  }
0x58: {  	_ =	shalt  }
0x59: {  	_ =	shalt  }
0x5a: {  	_ =	shalt  }
0x5b: {  	_ =	shalt  }
0x5c: {  	_ =	shalt  }
0x5d: {  	_ =	shalt  }
0x5e: {  	_ =	shalt  }
0x5f: {  	_ =	shalt  }
0x60: {  	_ =	shalt  }
0x61: {  	_ =	shalt  }
0x62: {  	_ =	shalt  }
0x63: {  	_ =	shalt  }
0x64: {  	_ =	shalt  }
0x65: {  	_ =	shalt  }
0x66: {  	_ =	shalt  }
0x67: {  	_ =	shalt  }
0x68: {  	_ =	shalt  }
0x69: {  	_ =	shalt  }
0x6a: {  	_ =	shalt  }
0x6b: {  	_ =	shalt  }
0x6c: {  	_ =	shalt  }
0x6d: {  	_ =	shalt  }
0x6e: {  	_ =	shalt  }
0x6f: {  	_ =	shalt  }
0x70: {  	_ =	shalt  }
0x71: {  	_ =	shalt  }
0x72: {  	_ =	shalt  }
0x73: {  	_ =	shalt  }
0x74: {  	_ =	shalt  }
0x75: {  	_ =	shalt  }
0x76: {  	_ =	shalt  }
0x77: {  	_ =	shalt  }
0x78: {  	_ =	shalt  }
0x79: {  	_ =	shalt  }
0x7a: {  	_ =	shalt  }
0x7b: {  	_ =	shalt  }
0x7c: {  	_ =	shalt  }
0x7d: {  	_ =	shalt  }
0x7e: {  	_ =	shalt  }
0x7f: {  	_ =	shalt  }
0x80: {  	_ =	shalt  }
0x81: {  	_ =	shalt  }
0x82: {  	_ =	shalt  }
0x83: {  	_ =	shalt  }
0x84: {  	_ =	shalt  }
0x85: {  	_ =	shalt  }
0x86: {  	_ =	shalt  }
0x87: {  	_ =	shalt  }
.Lfunc_end0:
.L_simem_size_0:
called_computation.3_lowered:
.L_overlay_start_0:
0x88: {  	s2 =	sld [smem:$0x3FD9]  }
0x89: {  	s3 =	sld [smem:$0x3FFE];
	_ =	sdelay $0x1  }
0x8a: {  	s1 =	srdreg.scid  }
0x8b: {  	s0 =	sand.u32 $0x1, s1  }
0x8c: {  	s16 =	sshll.u32 s0, $0xA;
	s2 =	sadd.s32 s3, s2  }
0x8d: {  	s2 =	sadd.s32 s2, s16  }
0x8e: {  	[smem:$0x3FB6] =	sst s2  }
0x8f: {  	_ = 	snop  }
0x90: {  	(tm) =	ssettm $0x1  }
0x91: {  	s17 =	sld [smem:$0x3FFB];
	_ =	sdelay $0x3  }
0x92: {  	_ =	strace s17  }
0x93: {  	s2 =	sld [smem:$0x3FFC];
	_ =	sdelay $0x3  }
0x94: {  	_ =	strace s2  }
0x95: {  	s2 =	sld [smem:$0x3FFD];
	_ =	sdelay $0x3  }
0x96: {  	_ =	strace s2  }
0x97: {  	_ =	strace $0x8FFFFFFF  }
0x98: {  	s18 =	sld [smem:$0x3FDB];
	_ =	sdelay $0x1  }
0x99: {  	s19 =	simm.s32 $_scs_section_size  }
0x9a: {  	s4 =	simm.s32 $_size__tile_overlayer_lowered;
	s5 =	simm.s32 $_tile_overlayer_lowered  }
0x9b: {  	s22 =	simm.s32 $0x1BFF;
	s21 =	sshll.u32 s5, $0x1;
	s2 =	sadd.s32 s19, s18  }
0x9c: {  	s6 =	simm.s32 $0x0;
	s20 =	sshll.u32 s4, $0x1;
	s4 =	sadd.s32 s21, s2  }
0x9d: {  	[timem:s6], [sflag:s22] =	dma.local [hbm:s4], s20  }
0x9e: {  	_ =	swait.ge [sflag:s22], s20  }
0x9f: {  	s3 =	ssub.s32 $0x0, s20;
	[sflag:s22] =	ssyncset.done $0x0  }
0xa0: {  	[sflag:s22] =	ssyncadd.s32 s3;
	_ =	sdelay $0x1  }
0xa1: {  	s23 =	simm.s32 $0x1B8B  }
0xa2: {  	_ =	swait.ge [sflag:s23], $0x1  }
0xa3: {  	[sflag:s23] =	ssyncset.done $0x0  }
0xa4: {  	s25 =	simm.s32 $0x1B8E;
	s24 =	sld [smem:$0x3FFE];
	[sflag:s23] =	ssyncadd.s32 $0xFFFFFFFF  }
0xa5: {  	s26 =	simm.s32 $execute0_lowered;
	[smem:$0x3FD2] =	sst s25  }
0xa6: {  	s4 =	sshll.u32 s26, $0x1;
	_ =	strace $0x8000004F;
	[dreg:$0x1] =	wrdreg $0xFFFFFFFF  }
0xa7: {  	s28 =	simm.s32 $_size_execute0_lowered;
	s2 =	sadd.s32 s2, s4;
	[dreg:$0x0] =	wrdreg $0x0  }
0xa8: {  	s4 =	sshll.u32 s28, $0x1;
	[dreg:$0x2] =	wrdreg s2  }
0xa9: {  	[dreg:$0x3] =	wrdreg s4  }
0xaa: {  	[dreg:$0x4] =	wrdreg $0xC0  }
0xab: {  	_ =	task [dreg:s6], $0x5FFFF  }
0xac: {  	[dreg:$0x1] =	wrdreg $0xFFFFFFFF  }
0xad: {  	[dreg:$0x0] =	wrdreg $0x60  }
0xae: {  	[dreg:$0x2] =	wrdreg s24  }
0xaf: {  	[dreg:$0x3] =	wrdreg $0x9  }
0xb0: {  	_ =	task.clear_ibuf [dreg:s6], $0x4FFFF;
	_ =	strace $0x9000004F  }
0xb1: {  	s29 =	simm.s32 $0x9;
	_ =	strace $0x80000051  }
0xb2: {  	_ =	swait.ge [sflag:s29], $0x1  }
0xb3: {  	[sflag:s29] =	ssyncadd.s32 $0xFFFFFFFF  }
0xb4: {  	_ =	strace $0x90000051  }
0xb5: {  	_ =	sfence  }
0xb6: {  	s30 =	sld [smem:$0x0];
	_ =	sdelay $0x2  }
0xb7: {  	s31 =	sshll.u32 s1, $0xD;
	s1 =	sshrl.u32 s1, $0x2  }
0xb8: {  	s3 =	sand.u32 $0x4000, s31;
	s1 =	sadd.s32 s1, s30  }
0xb9: {  	s0 =	sor.u32 s3, s0;
	s1 =	sshll.u32 s1, $0x11  }
0xba: {  	s0 =	sor.u32 s1, s0  }
0xbb: {  	s0 =	sadd.s32 $0x8F2B, s0  }
0xbc: {  	[sflag:s0] =	ssyncadd.remote.s32 $0x1  }
0xbd: {  	_ =	sfence.sel $0xFFFF  }
0xbe: {  	[dreg:$0x0] =	wrdreg $0xFFFFFFFF;
	(pc) =	sbr.abs _section_cstart, $3  }
0xbf: {  	[dreg:$0x1] =	wrdreg $0xFFFFFFFF  }
0xc0: {  	_ =	task.clear_ibuf [dreg:s6], $0x2FFFF;
	_ =	strace $0x9FFFFFFF  }
0xc1: {  	(tm) =	ssettm $0x7FFFFFFF  }
tec
execute0_lowered:
.L_overlay_start_1:
0x0: {  	(tag) =	ssettag $0x1  }
0x1: {  	s4 =	rddreg [dreg:$0x0]  }
0x2: {  	s0 =	rddreg [dreg:$0x1];
	s2 =	simm.s32 $0x0  }
0x3: {  	s3 =	srdreg.scid;
	s1 =	stileid.u32;
	s12 =	simm.s32 $0x2800  }
0x4: {  	s13 =	simm.s32 $0x4800;
	s14 =	simm.s32 $0x6800;
	s15 =	simm.s32 $0x0  }
0x5: {  	[smem:$0x7FF] =	sst s2;
	s5 =	sand.u32 $0x1, s3;
	s6 =	sshll.u32 s1, $0x1  }
0x6: {  	s7 =	sadd.s32 $0x30200, s4;
	s3 =	sadd.s32 $0x4E000, s4;
	s6 =	sor.u32 s5, s6  }
0x7: {  	s4 =	sadd.s32 $0x62000, s4;
	s5 =	ssub.s32 $0x2, s5;
	s8 =	smul.u32 $0x500, s6  }
0x8: {  	s9 =	sshllo.u32 s6, $0x1;
	s10 =	sshrl.u32 s5, $0x1;
	s6 =	smul.u32 $0x140000, s6  }
0x9: {  	_ =	strace $0x80000050;
	s11 =	smul.u32 $0x280, s9;
	s10 =	ssub.s32 s5, s10  }
0xa: {  	s5 =	sadd.s32 s7, s8;
	s8 =	smul.u32 $0xA0000, s9;
	s9 =	smax.u32 s10, $0x1  }
0xb: {  	s10 =	simm.s32 $0x1;
	s7 =	sadd.s32 s7, s11;
	s11 =	simm.s32 $0x1400  }
.LBB2_1:
0xc: {  	[tilespmem:s2], [sflag:$0x1] =	stream.linear.gather [hbm4b:s5+s2], $0x1400, $0x38;
	[tilespmem:$0x8800] =	vst v63  }
0xd: {  	_ =	swait.ge [sflag:s10], $0x1400  }
0xe: {  	[sflag:s10] =	ssyncset.done $0x0  }
0xf: {  	[sflag:s10] =	ssyncadd.s32 $0xFFFFEC00  }
0x10: {  	[tilespmem:s11], [sflag:$0x1] =	stream.linear.gather [hbm4b:s7+s2], $0x1400, $0x38;
	[tilespmem:$0x8800] =	vst v63  }
0x11: {  	_ =	swait.ge [sflag:s10], $0x1400  }
0x12: {  	[sflag:s10] =	ssyncset.done $0x0  }
0x13: {  	s16 =	simm.s32 $0x0;
	[sflag:s10] =	ssyncadd.s32 $0xFFFFEC00  }
.LBB2_2:
0x14: {  	s17 =	sshll.u32 s16, $0xA  }
0x15: {  	s18 =	simm.s32 $0x0;
	s17 =	sadd.s32 s3, s17  }
0x16: {  	[tilespmem:s12], [sflag:$0x1] =	stream.linear.gather [hbm4b:s17+s18], $0x2000, $0x38;
	[tilespmem:$0x8800] =	vst v63  }
0x17: {  	_ =	swait.ge [sflag:s10], $0x2000  }
0x18: {  	[sflag:s10] =	ssyncset.done $0x0  }
0x19: {  	s17 =	simm.s32 $0x0;
	[sflag:s10] =	ssyncadd.s32 $0xFFFFE000  }
0x1a: {  	v0 =	vld [tilespmem:s17+$0x2800];
	_ =	sdelay $0x7  }
0x1b: {  	v1 =	vld.idx.msk [tilespmem:v0+s2+$0x0], $0xffff;
	_ =	sdelay $0x3  }
0x1c: {  	s19 =	simm.s32 $0x80;
	s18 =	simm.s32 $0x10  }
.LBB2_3:
0x1d: {  	p0 =	sne.s32 s19, $0x7FC0;
	v2 =	vld [tilespmem:s18+$0x2800];
	[tilespmem:s17+$0x4800] =	vst v1  }
0x1e: {  	v1 =	vld.idx.msk [tilespmem:v0+s11+$0x0], $0xffff;
	_ =	sdelay $0x3  }
0x1f: {  	v0 =	vmov v2;
	_ =	sdelay $0x1  }
0x20: {  	[tilespmem:s17+$0x6800] =	vst v1;
	s17 =	smov.u32 s18  }
0x21: {  	v1 =	vld.idx.msk [tilespmem:v2+s2+$0x0], $0xffff  }
.Ltmp0:
0x22: {  	(pc) =	sbr.rel @p0 .LBB2_3-.Ltmp0, $2  }
0x23: {  	_ =	sdelay $0x2  }
0x24: {  	s18 =	sshra.s32 s19, $0x2;
	s19 =	sadd.s32 $0x40, s19  }
0x25: {  	_ =	sdelay $0x1  }
0x26: {  	v2 =	vld [tilespmem:s18+$0x2800]  }
0x27: {  	[tilespmem:s17+$0x4800] =	vst v1  }
0x28: {  	v0 =	vld.idx.msk [tilespmem:v0+s11+$0x0], $0xffff;
	_ =	sdelay $0x4  }
0x29: {  	[tilespmem:s17+$0x6800] =	vst v0  }
0x2a: {  	v0 =	vld.idx.msk [tilespmem:v2+s2+$0x0], $0xffff;
	_ =	sdelay $0x4  }
0x2b: {  	[tilespmem:s18+$0x4800] =	vst v0  }
0x2c: {  	v0 =	vld.idx.msk [tilespmem:v2+s11+$0x0], $0xffff;
	_ =	sdelay $0x1  }
0x2d: {  	s30 =	sshll.u32 s16, $0xD  }
0x2e: {  	s19 =	sadd.s32 s6, s30  }
0x2f: {  	s19 =	sshrl.u32 s19, $0x3  }
0x30: {  	s31 =	sadd.s32 s4, s19;
	[tilespmem:s18+$0x6800] =	vst v0  }
0x31: {  	[hbm4b:s31+s2] =	stream.linear.scatter [tilespmem:s13], [sflag:$0x1], $0x2000, $0x38;
	[tilespmem:$0x8800] =	vst v63  }
0x32: {  	s16 =	sadd.s32 $0x1, s16;
	s17 =	sadd.s32 s8, s30;
	_ =	swait.ge [sflag:s10], $0x2000  }
0x33: {  	p0 =	sne.s32 s16, $0x50;
	s17 =	sshrl.u32 s17, $0x3;
	[sflag:s10] =	ssyncset.done $0x0  }
.Ltmp1:
0x34: {  	s17 =	sadd.s32 s4, s17;
	[sflag:s10] =	ssyncadd.s32 $0xFFFFE000;
	(pc) =	sbr.rel @p0 .LBB2_2-.Ltmp1, $4  }
0x35: {  	[hbm4b:s17+s2] =	stream.linear.scatter [tilespmem:s14], [sflag:$0x1], $0x2000, $0x38;
	[tilespmem:$0x8800] =	vst v63  }
0x36: {  	_ =	swait.ge [sflag:s10], $0x2000  }
0x37: {  	[sflag:s10] =	ssyncset.done $0x0  }
0x38: {  	[sflag:s10] =	ssyncadd.s32 $0xFFFFE000  }
0x39: {  	s15 =	sadd.s32 $0x1, s15  }
0x3a: {  	p0 =	sne.s32 s15, s9  }
.Ltmp2:
0x3b: {  	_ = 	snop;
	(pc) =	sbr.rel @p0 .LBB2_1-.Ltmp2, $1  }
0x3c: {  	_ =	sdelay $0x3  }
0x3d: {  	_ =	sfence.sel $0x180000  }
0x3e: {  	[bflag:$0x0] =	sbarrier.arrive $0xFFFF  }
0x3f: {  	p0 =	sne.s32 s1, $0x0;
	_ =	strace $0x90000050  }
0x40: {  	s0 =	sadd.s32 @!p0 $0x100000, s0;
	[bflag:$0x2] =	sbarrier.arrive $0xFFFF  }
0x41: {  	[sflag:s0] =	ssyncadd.tile.s32 @!p0 $0x1;
	_ =	shalt  }
.Lfunc_end2:
_tile_overlayer_lowered:
.L_overlay_start_2:
0x42: {  	(tag) =	ssettag $0x2  }
0x43: {  	s0 =	rddreg [dreg:$0x0];
	s2 =	stileid.u32  }
0x44: {  	s1 =	rddreg [dreg:$0x1];
	p0 =	sne.s32 s2, $0x0  }
0x45: {  	s3 =	rddreg [dreg:$0x2];
	[bflag:$0x3] =	sbarrier.arrive $0xFFFF;
	s2 =	simm.s32 @!p0 $0x1C01  }
0x46: {  	[timem:s3], [sflag:s2] =	dma.local @!p0 [hbm:s0], s1  }
0x47: {  	s0 =	simm.s32 @!p0 $0x1  }
0x48: {  	_ =	swait.ge @!p0 [sflag:s0], s1  }
0x49: {  	s1 =	ssub.s32 @!p0 $0x0, s1;
	[sflag:s0] =	ssyncset.done @!p0 $0x0  }
0x4a: {  	[sflag:s0] =	ssyncadd.s32 @!p0 s1  }
0x4b: {  	[bflag:$0x3] =	sbarrier.arrive $0xFFFF  }
0x4c: {  	_ =	shalt  }

// kernel: sparse-core-data-format-call.cloned.1.call-start
scs
called_computation_lowered:
.L_overlay_start_0:
0x0: {  	s1 =	sld [smem:$0x3FD9]  }
0x1: {  	s2 =	sld [smem:$0x3FFE];
	_ =	sdelay $0x1  }
0x2: {  	s3 =	srdreg.scid  }
0x3: {  	s0 =	sand.u32 $0x1, s3  }
0x4: {  	s17 =	sshll.u32 s0, $0xA;
	s1 =	sadd.s32 s2, s1  }
0x5: {  	s1 =	sadd.s32 s1, s17  }
0x6: {  	[smem:$0x3FB6] =	sst s1  }
0x7: {  	_ = 	snop  }
0x8: {  	(tm) =	ssettm $0x1  }
0x9: {  	s18 =	sld [smem:$0x3FFB];
	_ =	sdelay $0x3  }
0xa: {  	_ =	strace s18  }
0xb: {  	s1 =	sld [smem:$0x3FFC];
	_ =	sdelay $0x3  }
0xc: {  	_ =	strace s1  }
0xd: {  	s1 =	sld [smem:$0x3FFD];
	_ =	sdelay $0x3  }
0xe: {  	_ =	strace s1  }
0xf: {  	_ =	strace $0x8FFFFFFF  }
0x10: {  	s19 =	sld [smem:$0x3FDB];
	_ =	sdelay $0x1  }
0x11: {  	s20 =	simm.s32 $_scs_section_size  }
0x12: {  	s4 =	simm.s32 $_size__tile_overlayer_lowered;
	s5 =	simm.s32 $_tile_overlayer_lowered  }
0x13: {  	s23 =	simm.s32 $0x1BFF;
	s22 =	sshll.u32 s5, $0x1;
	s1 =	sadd.s32 s20, s19  }
0x14: {  	s6 =	simm.s32 $0x0;
	s21 =	sshll.u32 s4, $0x1;
	s4 =	sadd.s32 s22, s1  }
0x15: {  	[timem:s6], [sflag:s23] =	dma.local [hbm:s4], s21  }
0x16: {  	_ =	swait.ge [sflag:s23], s21  }
0x17: {  	s2 =	ssub.s32 $0x0, s21;
	[sflag:s23] =	ssyncset.done $0x0  }
0x18: {  	[sflag:s23] =	ssyncadd.s32 s2;
	_ =	sdelay $0x1  }
0x19: {  	s24 =	simm.s32 $0x1B8B  }
0x1a: {  	_ =	swait.ge [sflag:s24], $0x1  }
0x1b: {  	[sflag:s24] =	ssyncset.done $0x0  }
0x1c: {  	s26 =	simm.s32 $0x1B8E;
	s25 =	sld [smem:$0x3FFE];
	[sflag:s24] =	ssyncadd.s32 $0xFFFFFFFF  }
0x1d: {  	s27 =	simm.s32 $execute0_lowered;
	[smem:$0x3FD2] =	sst s26  }
0x1e: {  	s4 =	sshll.u32 s27, $0x1;
	_ =	strace $0x80000046;
	[dreg:$0x1] =	wrdreg $0xFFFFFFFF  }
0x1f: {  	s28 =	simm.s32 $_size_execute0_lowered;
	s1 =	sadd.s32 s1, s4;
	[dreg:$0x0] =	wrdreg $0x0  }
0x20: {  	s4 =	sshll.u32 s28, $0x1;
	[dreg:$0x2] =	wrdreg s1  }
0x21: {  	[dreg:$0x3] =	wrdreg s4  }
0x22: {  	[dreg:$0x4] =	wrdreg $0xC0  }
0x23: {  	_ =	task [dreg:s6], $0x5FFFF  }
0x24: {  	[dreg:$0x1] =	wrdreg $0xFFFFFFFF  }
0x25: {  	[dreg:$0x0] =	wrdreg $0x60  }
0x26: {  	[dreg:$0x2] =	wrdreg s25  }
0x27: {  	[dreg:$0x3] =	wrdreg $0x9  }
0x28: {  	_ =	task.clear_ibuf [dreg:s6], $0x4FFFF;
	_ =	strace $0x90000046  }
0x29: {  	s29 =	simm.s32 $0x9;
	_ =	strace $0x80000048  }
0x2a: {  	_ =	swait.ge [sflag:s29], $0x1  }
0x2b: {  	[sflag:s29] =	ssyncadd.s32 $0xFFFFFFFF  }
0x2c: {  	_ =	strace $0x90000048  }
0x2d: {  	_ =	sfence  }
0x2e: {  	s30 =	sld [smem:$0x0];
	_ =	sdelay $0x2  }
0x2f: {  	s31 =	sshll.u32 s3, $0xD;
	s3 =	sshrl.u32 s3, $0x2  }
0x30: {  	s2 =	sand.u32 $0x4000, s31;
	s1 =	sadd.s32 s3, s30  }
0x31: {  	s0 =	sor.u32 s2, s0;
	s1 =	sshll.u32 s1, $0x11  }
0x32: {  	s0 =	sor.u32 s1, s0  }
0x33: {  	s0 =	sadd.s32 $0x8F2B, s0  }
0x34: {  	[sflag:s0] =	ssyncadd.remote.s32 $0x1  }
0x35: {  	_ =	sfence.sel $0xFFFF  }
0x36: {  	[dreg:$0x0] =	wrdreg $0xFFFFFFFF;
	(pc) =	sbr.abs _section_cstart, $3  }
0x37: {  	[dreg:$0x1] =	wrdreg $0xFFFFFFFF  }
0x38: {  	_ =	task.clear_ibuf [dreg:s6], $0x2FFFF;
	_ =	strace $0x9FFFFFFF  }
0x39: {  	(tm) =	ssettm $0x7FFFFFFF  }
tec
execute0_lowered:
.L_overlay_start_1:
0x0: {  	(tag) =	ssettag $0x1  }
0x1: {  	s0 =	srdreg.scid  }
0x2: {  	s1 =	sshll.u32 s0, $0x4  }
0x3: {  	s0 =	stileid.u32;
	s1 =	sand.u32 $0x10, s1  }
0x4: {  	s6 =	rddreg [dreg:$0x0];
	s1 =	sor.u32 s0, s1  }
0x5: {  	s4 =	simm.s32 $0x1;
	s7 =	simm.s32 $0x2;
	s2 =	sshll.u32 s1, $0x1  }
0x6: {  	s14 =	simm.s32 $0x0;
	s8 =	simm.s32 $0x400;
	s3 =	ssub.s32 $0x280, s2  }
0x7: {  	s9 =	simm.s32 $0x1400;
	s10 =	simm.s32 $0x0;
	s31 =	sand.u32 $0x3E, s3  }
0x8: {  	s15 =	simm.s32 $0x0;
	s11 =	simm.s32 $0x0;
	p0 =	sne.s32 s31, $0x0  }
.Ltmp0:
0x9: {  	s3 =	sshrl.u32 s3, $0x6;
	s4 =	simm.s32 @!p0 $0x0;
	(pc) =	sbr.rel .LBB1_1-.Ltmp0, $4  }
0xa: {  	s13 =	simm.s32 $0x0;
	s1 =	rddreg [dreg:$0x1];
	s5 =	sadd.s32 s4, s3  }
0xb: {  	_ =	strace $0x80000047;
	s4 =	simm.s32 $0x1;
	s5 =	smul.u32 $0x5, s5  }
0xc: {  	s12 =	smov.u32 s2;
	s3 =	sadd.s32 $0x6C00, s6;
	[sflag:s4] =	ssyncpa.u1 $0x0  }
0xd: {  	s6 =	sadd.s32 $0x326C00, s6;
	[sflag:s7] =	ssyncpa.u1 $0x0;
	s7 =	sadd.s32 $0x1, s5  }
.LBB1_9:
0xe: {  	s16 =	sadd.s32 $0x8, s11  }
0xf: {  	s14 =	sadd.s32 $0x40, s12;
	s18 =	smov.u32 s12;
	p1 =	sgt.s32 s16, $0x27  }
0x10: {  	s18 =	smov.u32 @p1 s14  }
0x11: {  	s16 =	simm.s32 @p1 $0x0;
	p1 =	sgt.s32 s18, $0x27F  }
0x12: {  	s18 =	smov.u32 @p1 s2;
	p1 =	sne.s32 s13, s7  }
.Ltmp1:
0x13: {  	p0 =	slt.u32 s13, $0x2;
	(pc) =	sbr.rel @!p1 .LBB1_10-.Ltmp1, $4  }
0x14: {  	s17 =	simm.s32 @!p0 $0x2  }
0x15: {  	s15 =	smov.u32 s12;
	s10 =	sadd.s32 $0x4000, s10;
	_ =	swait.ge @!p0 [sflag:s17], $0x4000  }
0x16: {  	s14 =	smov.u32 s11;
	[sflag:s17] =	ssyncset.done @!p0 $0x0;
	s11 =	smov.u32 s16  }
0x17: {  	s13 =	sadd.s32 $0x1, s13;
	[sflag:s17] =	ssyncadd.s32 @!p0 $0xFFFFC000;
	s12 =	smov.u32 s18  }
.LBB1_1:
0x18: {  	p0 =	sge.u32 s13, s5  }
0x19: {  	s17 =	smul.u32 @!p0 $0x1400, s12  }
0x1a: {  	s31 =	sadd.s32 $0xFFFFFFFF, s13;
	s16 =	sxor.u32 @!p0 $0xFFFFFFFF, s13;
	s18 =	sshll.u32 @!p0 s11, $0x7  }
0x1b: {  	s19 =	simm.s32 @!p0 $0xA000;
	s16 =	sshll.u32 @!p0 s16, $0xE;
	s17 =	sadd.s32 @!p0 s3, s17  }
0x1c: {  	s16 =	sand.u32 @!p0 $0x4000, s16;
	s17 =	sadd.s32 @!p0 s18, s17;
	s18 =	simm.s32 @!p0 $0x2000  }
0x1d: {  	[tilespmem:s16], [sflag:$0x1] =	stream.strided.gather @!p0 [hbm4b:s17+s18], $0x4000, s19, s18, $0x38;
	[tilespmem:$0x10000] =	vst v63  }
0x1e: {  	p0 =	sge.u32 s31, s5  }
.Ltmp2:
0x1f: {  	_ = 	snop;
	(pc) =	sbr.rel @p0 .LBB1_9-.Ltmp2, $1  }
0x20: {  	_ =	sdelay $0x3  }
0x21: {  	s16 =	sshll.u32 s10, $0x2  }
0x22: {  	_ =	swait.ge [sflag:s4], $0x4000;
	s17 =	sshll.u32 s13, $0xE;
	s19 =	simm.s32 $0x0  }
0x23: {  	p1 =	por $0x1, $0x1;
	s16 =	sand.u32 $0x10000, s16;
	[sflag:s4] =	ssyncset.done $0x0  }
0x24: {  	s17 =	sand.u32 $0x4000, s17;
	s18 =	sshrl.u32 s16, $0x2;
	[sflag:s4] =	ssyncadd.s32 $0xFFFFC000  }
0x25: {  	s16 =	sor.u32 $0x8000, s17;
	s17 =	sadd.s32 $0x8040, s18;
	s18 =	sadd.s32 $0x40, s18  }
.LBB1_3:
0x26: {  	s19 =	sshll.u32 s19, $0x2  }
0x27: {  	p0 =	por p1, p1;
	s20 =	sshra.s32 s19, $0x2  }
0x28: {  	s21 =	simm.s32 $0x0;
	s19 =	sadd.s32 s20, s17;
	s20 =	sadd.s32 s20, s18  }
.LBB1_4:
0x29: {  	v0 =	vmov s20;
	_ =	sdelay $0x3  }
0x2a: {  	s23 =	simm.s32 $0x0  }
0x2b: {  	v6 =	vld.idx.msk [tilespmem:v0+s23+$0x30 ss:$0x1], $0xffff  }
0x2c: {  	v7 =	vld.idx.msk [tilespmem:v0+s23+$0xFFFFFFC0 ss:$0x1], $0xffff  }
0x2d: {  	v5 =	vld.idx.msk [tilespmem:v0+s23+$0xFFFFFFD0 ss:$0x1], $0xffff  }
0x2e: {  	v4 =	vld.idx.msk [tilespmem:v0+s23+$0xFFFFFFE0 ss:$0x1], $0xffff  }
0x2f: {  	v3 =	vld.idx.msk [tilespmem:v0+s23+$0xFFFFFFF0 ss:$0x1], $0xffff  }
0x30: {  	v1 =	vld.idx.msk [tilespmem:v0+s23+$0x0 ss:$0x1], $0xffff  }
0x31: {  	v2 =	vld.idx.msk [tilespmem:v0+s23+$0x10 ss:$0x1], $0xffff;
	[tilespmem:s19+$0x30] =	vst v6  }
0x32: {  	s22 =	simm.s32 $0x80;
	s24 =	simm.s32 $0x400;
	[tilespmem:s19+$0xFFFFFFC0] =	vst v7;
	v6 =	vld.idx.msk [tilespmem:v0+s23+$0x20 ss:$0x1], $0xffff;
	s23 =	smov.u32 s19  }
.LBB1_5:
0x33: {  	p1 =	sne.s32 s24, $0xE00;
	v7 =	vld.idx.msk [tilespmem:v0+s22+$0x30 ss:$0x1], $0xffff;
	[tilespmem:s23+$0xFFFFFFD0] =	vst v5  }
0x34: {  	v8 =	vld.idx.msk [tilespmem:v0+s22+$0xFFFFFFC0 ss:$0x1], $0xffff;
	[tilespmem:s23+$0xFFFFFFE0] =	vst v4  }
0x35: {  	v5 =	vld.idx.msk [tilespmem:v0+s22+$0xFFFFFFD0 ss:$0x1], $0xffff;
	[tilespmem:s23+$0xFFFFFFF0] =	vst v3  }
.Ltmp3:
0x36: {  	v4 =	vld.idx.msk [tilespmem:v0+s22+$0xFFFFFFE0 ss:$0x1], $0xffff;
	[tilespmem:s23+$0x0] =	vst v1;
	(pc) =	sbr.rel @p1 .LBB1_5-.Ltmp3, $4  }
0x37: {  	v3 =	vld.idx.msk [tilespmem:v0+s22+$0xFFFFFFF0 ss:$0x1], $0xffff;
	[tilespmem:s23+$0x10] =	vst v2  }
0x38: {  	v1 =	vld.idx.msk [tilespmem:v0+s22+$0x0 ss:$0x1], $0xffff;
	[tilespmem:s23+$0x20] =	vst v6;
	s23 =	sadd.s32 $0x400, s23  }
0x39: {  	v2 =	vld.idx.msk [tilespmem:v0+s22+$0x10 ss:$0x1], $0xffff;
	[tilespmem:s23+$0x30] =	vst v7  }
0x3a: {  	[tilespmem:s23+$0xFFFFFFC0] =	vst v8;
	v6 =	vld.idx.msk [tilespmem:v0+s22+$0x20 ss:$0x1], $0xffff;
	s22 =	sshra.s32 s24, $0x2;
	s24 =	sadd.s32 $0x200, s24  }
0x3b: {  	_ =	sdelay $0x2  }
0x3c: {  	[tilespmem:s23+$0xFFFFFFD0] =	vst v5  }
0x3d: {  	v56 =	vld.idx.msk [tilespmem:v0+s22+$0x30 ss:$0x1], $0xffff;
	[tilespmem:s23+$0xFFFFFFE0] =	vst v4  }
0x3e: {  	v57 =	vld.idx.msk [tilespmem:v0+s22+$0xFFFFFFC0 ss:$0x1], $0xffff;
	[tilespmem:s23+$0xFFFFFFF0] =	vst v3  }
0x3f: {  	v58 =	vld.idx.msk [tilespmem:v0+s22+$0xFFFFFFD0 ss:$0x1], $0xffff;
	[tilespmem:s23+$0x0] =	vst v1  }
0x40: {  	v59 =	vld.idx.msk [tilespmem:v0+s22+$0xFFFFFFE0 ss:$0x1], $0xffff;
	[tilespmem:s23+$0x10] =	vst v2  }
0x41: {  	v60 =	vld.idx.msk [tilespmem:v0+s22+$0xFFFFFFF0 ss:$0x1], $0xffff;
	s31 =	sadd.s32 $0x400, s23;
	[tilespmem:s23+$0x20] =	vst v6  }
0x42: {  	v61 =	vld.idx.msk [tilespmem:v0+s22+$0x0 ss:$0x1], $0xffff;
	[tilespmem:s31+$0x30] =	vst v56  }
0x43: {  	v62 =	vld.idx.msk [tilespmem:v0+s22+$0x10 ss:$0x1], $0xffff;
	s21 =	sadd.s32 $0x1, s21;
	[tilespmem:s31+$0xFFFFFFC0] =	vst v57  }
0x44: {  	v63 =	vld.idx.msk [tilespmem:v0+s22+$0x20 ss:$0x1], $0xffff;
	p1 =	sne.s32 s21, $0x8;
	[tilespmem:s31+$0xFFFFFFD0] =	vst v58  }
.Ltmp4:
0x45: {  	[tilespmem:s31+$0xFFFFFFE0] =	vst v59;
	(pc) =	sbr.rel @p1 .LBB1_4-.Ltmp4, $4  }
0x46: {  	[tilespmem:s31+$0xFFFFFFF0] =	vst v60  }
0x47: {  	[tilespmem:s31+$0x0] =	vst v61  }
0x48: {  	[tilespmem:s31+$0x10] =	vst v62  }
0x49: {  	s19 =	sadd.s32 $0x80, s19;
	s20 =	sadd.s32 $0x400, s20;
	[tilespmem:s31+$0x20] =	vst v63  }
.Ltmp5:
0x4a: {  	(pc) =	sbr.rel @p0 .LBB1_3-.Ltmp5, $2  }
0x4b: {  	_ =	sdelay $0x2  }
0x4c: {  	s19 =	simm.s32 $0x2000;
	p1 =	por $0x0, $0x0  }
0x4d: {  	s14 =	sand.u32 $0x1FFFFFF, s14  }
0x4e: {  	s17 =	smulhi.u32 $0x6666667, s14  }
0x4f: {  	s15 =	smul.u32 $0x1400, s15  }
0x50: {  	s17 =	smul.u32 $0x28, s17  }
.Ltmp6:
0x51: {  	_ = 	snop;
	(pc) =	sbr.rel .LBB1_9-.Ltmp6, $4  }
0x52: {  	s14 =	ssub.s32 s14, s17  }
0x53: {  	s15 =	sadd.s32 s6, s15;
	s14 =	sshll.u32 s14, $0x4  }
0x54: {  	s14 =	sadd.s32 s14, s15  }
0x55: {  	[hbm4b:s14+s8] =	stream.strided.scatter [tilespmem:s16], [sflag:$0x2], $0x4000, s9, s8, $0x38;
	[tilespmem:$0x10000] =	vst v63  }
.LBB1_10:
0x56: {  	_ =	sfence.sel $0x180000  }
0x57: {  	s2 =	simm.s32 $0x1;
	[bflag:$0x0] =	sbarrier.arrive $0xFFFF  }
0x58: {  	s31 =	simm.s32 $0x2;
	[sflag:s2] =	ssyncpa.u1 $0x1  }
0x59: {  	[sflag:s31] =	ssyncpa.u1 $0x1  }
0x5a: {  	p0 =	sne.s32 s0, $0x0;
	_ =	strace $0x90000047  }
0x5b: {  	s0 =	sadd.s32 @!p0 $0x100000, s1;
	[bflag:$0x2] =	sbarrier.arrive $0xFFFF  }
0x5c: {  	[sflag:s0] =	ssyncadd.tile.s32 @!p0 $0x1;
	_ =	shalt  }
.Lfunc_end1:
_tile_overlayer_lowered:
.L_overlay_start_2:
0x5d: {  	(tag) =	ssettag $0x2  }
0x5e: {  	s0 =	rddreg [dreg:$0x0];
	s2 =	stileid.u32  }
0x5f: {  	s1 =	rddreg [dreg:$0x1];
	p0 =	sne.s32 s2, $0x0  }
0x60: {  	s3 =	rddreg [dreg:$0x2];
	[bflag:$0x3] =	sbarrier.arrive $0xFFFF;
	s2 =	simm.s32 @!p0 $0x1C01  }
0x61: {  	[timem:s3], [sflag:s2] =	dma.local @!p0 [hbm:s0], s1  }
0x62: {  	s0 =	simm.s32 @!p0 $0x1  }
0x63: {  	_ =	swait.ge @!p0 [sflag:s0], s1  }
0x64: {  	s1 =	ssub.s32 @!p0 $0x0, s1;
	[sflag:s0] =	ssyncset.done @!p0 $0x0  }
0x65: {  	[sflag:s0] =	ssyncadd.s32 @!p0 s1  }
0x66: {  	[bflag:$0x3] =	sbarrier.arrive $0xFFFF  }
0x67: {  	_ =	shalt  }

</sc_bundles>
